<compile_context>
chip_gen: v7x
topology: tpu7x:2x2x1
jax: 0.10.2.dev20260603
libtpu: 0.0.44.dev20260713+nightly
codegen_flags: <defaults>
</compile_context>

<pallas_src>
import functools

import jax
import jax.numpy as jnp
from jax import lax
from jax.experimental import pallas as pl
from jax.experimental.pallas import tpu as pltpu
from jax.experimental.pallas import tpu_sc as plsc

N = 10000
E = 320000
D_IN = 128
D_OUT = 64

NC = 2
NS = 16
NW = NC * NS
CK = 128
EW = 10240
C = EW // CK
E_PAD = EW * NW
N_PAD = 10240
NT = N_PAD // NS
NBUF = 2

_mesh = plsc.VectorSubcoreMesh(core_axis_name="c", subcore_axis_name="s")


def _deg_body(adj_hbm, zrow_hbm, od_hbm,
              src_v, ones_v, od_sh):
    cid = lax.axis_index("c")
    sid = lax.axis_index("s")
    wid = sid * NC + cid
    t = sid
    for i in range(CK // 16):
        ones_v[pl.ds(i * 16, 16)] = jnp.ones((16,), jnp.float32)
    pltpu.sync_copy(zrow_hbm.at[pl.ds(t * NT, NT)], od_sh.at[pl.ds(t * NT, NT)])
    pltpu.sync_copy(adj_hbm.at[0, pl.ds(wid * C, C)], src_v)
    plsc.subcore_barrier()

    def chunk(j, carry):
        pltpu.sync_copy(ones_v, od_sh.at[src_v.at[j]], add=True)
        return carry

    lax.fori_loop(0, C, chunk, 0)
    plsc.subcore_barrier()
    pltpu.sync_copy(od_sh.at[pl.ds(t * NT, NT)], od_hbm.at[cid, pl.ds(t * NT, NT)])


_deg_kernel = functools.partial(
    pl.kernel,
    out_type=jax.ShapeDtypeStruct((NC, N_PAD), jnp.float32),
    mesh=_mesh,
    scratch_types=[
        pltpu.VMEM((C, CK), jnp.int32),
        pltpu.VMEM((CK,), jnp.float32),
        pltpu.VMEM_SHARED((N_PAD,), jnp.float32),
    ],
)(_deg_body)


SG = 8
C0W = 160
TOTC = E_PAD // CK


def _scatter_body(adj_hbm, hw_hbm, zmat_hbm, zrow_hbm, m_hbm, id_hbm,
                  src_v, dst_v, r0, r1, ones_v, m_sh, id_sh, g0, g1):
    rows = (r0, r1)
    gsem = (g0, g1)
    cid = lax.axis_index("c")
    sid = lax.axis_index("s")
    t = sid

    @pl.when(cid == 0)
    def _():
        pltpu.sync_copy(zmat_hbm.at[pl.ds(t * NT, NT)],
                        m_sh.at[pl.ds(t * NT, NT)])
        plsc.subcore_barrier()
        base = sid * C0W

        def stage(st, carry):
            s0 = base + st * SG
            pltpu.sync_copy(adj_hbm.at[0, pl.ds(s0, SG)], src_v)
            pltpu.sync_copy(adj_hbm.at[1, pl.ds(s0, SG)], dst_v)
            for b in range(NBUF):
                pltpu.async_copy(hw_hbm.at[src_v.at[b]], rows[b], gsem[b])

            def group(j0, carry2):
                for b in range(NBUF):
                    pltpu.make_async_copy(hw_hbm.at[src_v.at[j0 + b]],
                                          rows[b], gsem[b]).wait()
                    pltpu.sync_copy(rows[b], m_sh.at[dst_v.at[j0 + b]],
                                    add=True)

                    @pl.when(j0 < SG - NBUF)
                    def _():
                        pltpu.async_copy(hw_hbm.at[src_v.at[j0 + NBUF + b]],
                                         rows[b], gsem[b])
                return carry2

            lax.fori_loop(0, SG // NBUF, lambda i, c2: group(i * NBUF, c2),
                          0, unroll=False)
            return carry

        lax.fori_loop(0, C0W // SG, stage, 0, unroll=False)
        plsc.subcore_barrier()
        pltpu.sync_copy(m_sh.at[pl.ds(t * NT, NT)],
                        m_hbm.at[pl.ds(t * NT, NT)])

    @pl.when(cid == 1)
    def _():
        for i in range(CK // 16):
            ones_v[pl.ds(i * 16, 16)] = jnp.ones((16,), jnp.float32)
        pltpu.sync_copy(zrow_hbm.at[pl.ds(t * NT, NT)],
                        id_sh.at[pl.ds(t * NT, NT)])
        plsc.subcore_barrier()
        tbase = sid * (TOTC // NS)

        def dstage(st, carry):
            s0 = tbase + st * SG
            pltpu.sync_copy(adj_hbm.at[1, pl.ds(s0, SG)], dst_v)

            def chunk(j, carry2):
                pltpu.sync_copy(ones_v, id_sh.at[dst_v.at[j]], add=True)
                return carry2

            lax.fori_loop(0, SG, chunk, 0, unroll=False)
            return carry

        lax.fori_loop(0, (TOTC // NS) // SG, dstage, 0, unroll=False)
        plsc.subcore_barrier()
        pltpu.sync_copy(id_sh.at[pl.ds(t * NT, NT)],
                        id_hbm.at[pl.ds(t * NT, NT)])


_scatter_kernel = functools.partial(
    pl.kernel,
    out_type=(jax.ShapeDtypeStruct((N_PAD, D_IN), jnp.float32),
              jax.ShapeDtypeStruct((N_PAD,), jnp.float32)),
    mesh=_mesh,
    scratch_types=[
        pltpu.VMEM((SG, CK), jnp.int32),
        pltpu.VMEM((SG, CK), jnp.int32),
        pltpu.VMEM((CK, D_IN), jnp.float32),
        pltpu.VMEM((CK, D_IN), jnp.float32),
        pltpu.VMEM((CK,), jnp.float32),
        pltpu.VMEM_SHARED((N_PAD, D_IN), jnp.float32),
        pltpu.VMEM_SHARED((N_PAD,), jnp.float32),
        pltpu.SemaphoreType.DMA,
        pltpu.SemaphoreType.DMA,
    ],
)(_scatter_body)


_BLK = 512


def _mm_body(x_ref, od_ref, w0_ref, w1_ref, o_ref):
    deg = jnp.maximum(od_ref[0] + od_ref[1], 1.0)
    scale = lax.rsqrt(deg)
    xs = x_ref[...] * scale[:, None]
    w = jnp.concatenate(
        [w0_ref[...] + w1_ref[...],
         jnp.zeros((D_IN, D_IN - D_OUT), jnp.float32)], axis=1)
    o_ref[...] = jnp.dot(xs, w, preferred_element_type=jnp.float32)


def _fin_body(m_ref, id_ref, o_ref):
    m = m_ref[:, :D_OUT]
    deg = jnp.maximum(id_ref[...], 1.0)
    scale = lax.rsqrt(deg)
    o_ref[...] = jnp.tanh(m * scale[:, None])


def kernel(adj, x, W0, W1):
    pad = jnp.full((2, E_PAD - E), N, dtype=jnp.int32)
    adj_p = jnp.concatenate([adj, pad], axis=1).reshape(2, TOTC, CK)
    x_p = jnp.concatenate(
        [x, jnp.zeros((N_PAD - N, D_IN), dtype=jnp.float32)], axis=0)
    zrow = jnp.zeros((N_PAD,), dtype=jnp.float32)
    zmat = jnp.zeros((N_PAD, D_IN), dtype=jnp.float32)

    od_p = _deg_kernel(adj_p, zrow)

    hw = pl.pallas_call(
        _mm_body,
        grid=(N_PAD // _BLK,),
        in_specs=[
            pl.BlockSpec((_BLK, D_IN), lambda i: (i, 0)),
            pl.BlockSpec((NC, _BLK), lambda i: (0, i)),
            pl.BlockSpec((D_IN, D_OUT), lambda i: (0, 0)),
            pl.BlockSpec((D_IN, D_OUT), lambda i: (0, 0)),
        ],
        out_specs=pl.BlockSpec((_BLK, D_IN), lambda i: (i, 0)),
        out_shape=jax.ShapeDtypeStruct((N_PAD, D_IN), jnp.float32),
    )(x_p, od_p, W0, W1)

    m_p, id_p = _scatter_kernel(adj_p, hw, zmat, zrow)

    out = pl.pallas_call(
        _fin_body,
        grid=(N_PAD // _BLK,),
        in_specs=[
            pl.BlockSpec((_BLK, D_IN), lambda i: (i, 0)),
            pl.BlockSpec((_BLK,), lambda i: (i,)),
        ],
        out_specs=pl.BlockSpec((_BLK, D_OUT), lambda i: (i, 0)),
        out_shape=jax.ShapeDtypeStruct((N_PAD, D_OUT), jnp.float32),
    )(m_p, id_p)

    return out[:N]

# --- scband reference (transcript-rebuilt; emitter-appended) ---
"""Pipeline reference for scband-rgcn-20418274525635 (READ-ONLY COPY).

The authoritative reference and input builder live on the scoring server;
editing this copy changes nothing except your own understanding.
"""

import jax, jax.numpy as jnp
import numpy as np

N = 10000
E = 320000
D_IN = 128
D_OUT = 64
NUM_REL = 2


def setup_inputs(seed: int = 0) -> dict:
    key = jax.random.key(seed)
    k1, k2, k3, k4 = jax.random.split(key, 4)
    x = jax.random.normal(k1, (N, D_IN), dtype=jnp.float32)
    adj = jax.random.randint(k2, (2, E), 0, N, dtype=jnp.int32)
    scale = float(np.sqrt(6.0 / (D_IN + D_OUT)))
    W0 = jax.random.uniform(k3, (D_IN, D_OUT), dtype=jnp.float32, minval=-scale, maxval=scale)
    W1 = jax.random.uniform(k4, (D_IN, D_OUT), dtype=jnp.float32, minval=-scale, maxval=scale)
    return {"adj": adj, "x": x, "W0": W0, "W1": W1}


def _gcn_conv(edge_index, x, W):
    # DGL GraphConv with norm='both', weight=True, bias=False, activation=None,
    # allow_zero_in_degree=True (degrees clamped to min 1).
    src = edge_index[0]
    dst = edge_index[1]
    out_deg = jnp.clip(jnp.bincount(src, length=N), 1, None).astype(x.dtype)
    in_deg = jnp.clip(jnp.bincount(dst, length=N), 1, None).astype(x.dtype)
    h = x * (out_deg ** -0.5)[:, None]
    # message passing: sum over incoming edges (gather from src, scatter-add to dst)
    m = jnp.zeros((N, x.shape[1]), dtype=x.dtype).at[dst].add(h[src])
    m = m * (in_deg ** -0.5)[:, None]
    return m @ W


def reference(adj, x, W0, W1):
    # RGCN_layer: sum of per-relation GraphConv outputs (same adjacency shared
    # across both relations, each with its own weight), then RGCN applies tanh.
    # dropout rate is 0 -> identity.
    mes0 = _gcn_conv(adj, x, W0)
    mes1 = _gcn_conv(adj, x, W1)
    z = mes0 + mes1
    return jnp.tanh(z)

if __name__ == "__main__":
    import jax
    _d = setup_inputs()
    print(jax.jit(kernel)(*tuple(_d.values())))

</pallas_src>

<mosaic_0001>
#map = affine_map<(d0, d1) -> (0, 0, 0)>
#map1 = affine_map<(d0, d1) -> (0, 0)>
#map2 = affine_map<(d0, d1) -> (0)>
module attributes {stable_mosaic.version = 14 : i64} {
  func.func @_scatter_body(%arg0: i32, %arg1: i32, %arg2: memref<2x2560x128xi32, #tpu.memory_space<hbm>>, %arg3: memref<10240x128xf32, #tpu.memory_space<hbm>>, %arg4: memref<10240x128xf32, #tpu.memory_space<hbm>>, %arg5: memref<10240xf32, #tpu.memory_space<hbm>>, %arg6: memref<10240x128xf32, #tpu.memory_space<hbm>>, %arg7: memref<10240xf32, #tpu.memory_space<hbm>>, %arg8: memref<8x128xi32, #tpu.memory_space<vmem>>, %arg9: memref<8x128xi32, #tpu.memory_space<vmem>>, %arg10: memref<128x128xf32, #tpu.memory_space<vmem>>, %arg11: memref<128x128xf32, #tpu.memory_space<vmem>>, %arg12: memref<128xf32, #tpu.memory_space<vmem>>, %arg13: memref<10240x128xf32, #tpu.memory_space<vmem_shared>>, %arg14: memref<10240xf32, #tpu.memory_space<vmem_shared>>, %arg15: memref<!tpu.dma_semaphore, #tpu.memory_space<semaphore_mem>>, %arg16: memref<!tpu.dma_semaphore, #tpu.memory_space<semaphore_mem>>) attributes {dimension_semantics = [#tpu.dimension_semantics<core_parallel>, #tpu.dimension_semantics<subcore_parallel>], iteration_bounds = array<i64: 2, 16>, scalar_prefetch = 0 : i64, scratch_operands = 9 : i64, tpu.core_type = #tpu.core_type<sc_vector_subcore>, window_params = [{transform_indices = #map}, {transform_indices = #map1}, {transform_indices = #map1}, {transform_indices = #map2}, {transform_indices = #map1}, {transform_indices = #map2}]} {
    %eq3A = arith.constant 0 : i32
    %eq3A_0 = arith.cmpi eq, %arg0, %eq3A : i32
    %convert_element_type3A = arith.extui %eq3A_0 : i1 to i32
    %cond3A = arith.constant 0 : i32
    %cond3A_1 = arith.cmpi ne, %convert_element_type3A, %cond3A : i32
    scf.if %cond3A_1 {
      %mul3A = arith.constant 640 : i32
      %mul3A_7 = arith.muli %arg1, %mul3A : i32
      %mul3A_8 = arith.constant 640 : i32
      %mul3A_9 = arith.muli %arg1, %mul3A_8 : i32
      "tpu.region"() ({
        %run_scoped3A = tpu.sem_alloc : memref<!tpu.dma_semaphore, #tpu.memory_space<semaphore_mem>>
        %dma_start3A = arith.constant 0 : i32
        %dma_start3A_22 = tpu.memref_slice %arg13[%mul3A_9, %dma_start3A] : memref<10240x128xf32, #tpu.memory_space<vmem_shared>> -> memref<640x128xf32, #tpu.memory_space<vmem_shared>>
        %dma_start3A_23 = arith.constant 0 : i32
        %dma_start3A_24 = tpu.memref_slice %arg4[%mul3A_7, %dma_start3A_23] : memref<10240x128xf32, #tpu.memory_space<hbm>> -> memref<640x128xf32, #tpu.memory_space<hbm>>
        tpu.enqueue_dma source(%dma_start3A_24 : memref<640x128xf32, #tpu.memory_space<hbm>>) target(%dma_start3A_22 : memref<640x128xf32, #tpu.memory_space<vmem_shared>>) target_semaphore(%run_scoped3A : memref<!tpu.dma_semaphore, #tpu.memory_space<semaphore_mem>>)
        %dma_wait3A = arith.constant 0 : i32
        %dma_wait3A_25 = tpu.memref_slice %arg13[%mul3A_9, %dma_wait3A] : memref<10240x128xf32, #tpu.memory_space<vmem_shared>> -> memref<640x128xf32, #tpu.memory_space<vmem_shared>>
        %dma_wait3A_26 = arith.constant 0 : i32
        %dma_wait3A_27 = tpu.memref_slice %arg4[%mul3A_7, %dma_wait3A_26] : memref<10240x128xf32, #tpu.memory_space<hbm>> -> memref<640x128xf32, #tpu.memory_space<hbm>>
        tpu.wait_dma2 semaphore(%run_scoped3A : memref<!tpu.dma_semaphore, #tpu.memory_space<semaphore_mem>>) src(%dma_wait3A_27 : memref<640x128xf32, #tpu.memory_space<hbm>>) dst(%dma_wait3A_25 : memref<640x128xf32, #tpu.memory_space<vmem_shared>>)
        tpu.yield
      }) : () -> ()
      %barrier3A = arith.constant 0 : index
      tpu.barrier barrier_id(%barrier3A)
      %mul3A_10 = arith.constant 160 : i32
      %mul3A_11 = arith.muli %arg1, %mul3A_10 : i32
      %scan3A = arith.constant 0 : i32
      %scan3A_12 = arith.constant 0 : i32
      %scan3A_13 = arith.constant 20 : i32
      %scan3A_14 = arith.addi %scan3A_12, %scan3A_13 : i32
      %scan3A_15 = arith.constant 1 : i32
      scf.for %scan3A_22 = %scan3A_12 to %scan3A_14 step %scan3A_15  : i32 {
        %mul3A_23 = arith.constant 8 : i32
        %mul3A_24 = arith.muli %scan3A_22, %mul3A_23 : i32
        %add3A = arith.addi %mul3A_11, %mul3A_24 : i32
        %run_scoped3A = arith.constant 0 : i32
        "tpu.region"() ({
          %run_scoped3A_45 = tpu.sem_alloc : memref<!tpu.dma_semaphore, #tpu.memory_space<semaphore_mem>>
          %dma_start3A_46 = arith.constant 0 : i32
          %dma_start3A_47 = tpu.memref_slice %arg2[%run_scoped3A, %add3A, %dma_start3A_46] : memref<2x2560x128xi32, #tpu.memory_space<hbm>> -> memref<1x8x128xi32, #tpu.memory_space<hbm>>
          %dma_start3A_48 = tpu.memref_squeeze %dma_start3A_47 : memref<1x8x128xi32, #tpu.memory_space<hbm>> -> memref<8x128xi32, #tpu.memory_space<hbm>>
          %dma_start3A_49 = arith.constant 0 : i32
          %dma_start3A_50 = tpu.memref_slice %arg2[%run_scoped3A, %add3A, %dma_start3A_49] : memref<2x2560x128xi32, #tpu.memory_space<hbm>> -> memref<1x8x128xi32, #tpu.memory_space<hbm>>
          %dma_start3A_51 = tpu.memref_squeeze %dma_start3A_50 : memref<1x8x128xi32, #tpu.memory_space<hbm>> -> memref<8x128xi32, #tpu.memory_space<hbm>>
          tpu.enqueue_dma source(%dma_start3A_51 : memref<8x128xi32, #tpu.memory_space<hbm>>) target(%arg8 : memref<8x128xi32, #tpu.memory_space<vmem>>) target_semaphore(%run_scoped3A_45 : memref<!tpu.dma_semaphore, #tpu.memory_space<semaphore_mem>>)
          %dma_wait3A = arith.constant 0 : i32
          %dma_wait3A_52 = tpu.memref_slice %arg2[%run_scoped3A, %add3A, %dma_wait3A] : memref<2x2560x128xi32, #tpu.memory_space<hbm>> -> memref<1x8x128xi32, #tpu.memory_space<hbm>>
          %dma_wait3A_53 = tpu.memref_squeeze %dma_wait3A_52 : memref<1x8x128xi32, #tpu.memory_space<hbm>> -> memref<8x128xi32, #tpu.memory_space<hbm>>
          %dma_wait3A_54 = arith.constant 0 : i32
          %dma_wait3A_55 = tpu.memref_slice %arg2[%run_scoped3A, %add3A, %dma_wait3A_54] : memref<2x2560x128xi32, #tpu.memory_space<hbm>> -> memref<1x8x128xi32, #tpu.memory_space<hbm>>
          %dma_wait3A_56 = tpu.memref_squeeze %dma_wait3A_55 : memref<1x8x128xi32, #tpu.memory_space<hbm>> -> memref<8x128xi32, #tpu.memory_space<hbm>>
          tpu.wait_dma2 semaphore(%run_scoped3A_45 : memref<!tpu.dma_semaphore, #tpu.memory_space<semaphore_mem>>) src(%dma_wait3A_56 : memref<8x128xi32, #tpu.memory_space<hbm>>) dst(%arg8 : memref<8x128xi32, #tpu.memory_space<vmem>>)
          tpu.yield
        }) : () -> ()
        %run_scoped3A_25 = arith.constant 1 : i32
        "tpu.region"() ({
          %run_scoped3A_45 = tpu.sem_alloc : memref<!tpu.dma_semaphore, #tpu.memory_space<semaphore_mem>>
          %dma_start3A_46 = arith.constant 0 : i32
          %dma_start3A_47 = tpu.memref_slice %arg2[%run_scoped3A_25, %add3A, %dma_start3A_46] : memref<2x2560x128xi32, #tpu.memory_space<hbm>> -> memref<1x8x128xi32, #tpu.memory_space<hbm>>
          %dma_start3A_48 = tpu.memref_squeeze %dma_start3A_47 : memref<1x8x128xi32, #tpu.memory_space<hbm>> -> memref<8x128xi32, #tpu.memory_space<hbm>>
          %dma_start3A_49 = arith.constant 0 : i32
          %dma_start3A_50 = tpu.memref_slice %arg2[%run_scoped3A_25, %add3A, %dma_start3A_49] : memref<2x2560x128xi32, #tpu.memory_space<hbm>> -> memref<1x8x128xi32, #tpu.memory_space<hbm>>
          %dma_start3A_51 = tpu.memref_squeeze %dma_start3A_50 : memref<1x8x128xi32, #tpu.memory_space<hbm>> -> memref<8x128xi32, #tpu.memory_space<hbm>>
          tpu.enqueue_dma source(%dma_start3A_51 : memref<8x128xi32, #tpu.memory_space<hbm>>) target(%arg9 : memref<8x128xi32, #tpu.memory_space<vmem>>) target_semaphore(%run_scoped3A_45 : memref<!tpu.dma_semaphore, #tpu.memory_space<semaphore_mem>>)
          %dma_wait3A = arith.constant 0 : i32
          %dma_wait3A_52 = tpu.memref_slice %arg2[%run_scoped3A_25, %add3A, %dma_wait3A] : memref<2x2560x128xi32, #tpu.memory_space<hbm>> -> memref<1x8x128xi32, #tpu.memory_space<hbm>>
          %dma_wait3A_53 = tpu.memref_squeeze %dma_wait3A_52 : memref<1x8x128xi32, #tpu.memory_space<hbm>> -> memref<8x128xi32, #tpu.memory_space<hbm>>
          %dma_wait3A_54 = arith.constant 0 : i32
          %dma_wait3A_55 = tpu.memref_slice %arg2[%run_scoped3A_25, %add3A, %dma_wait3A_54] : memref<2x2560x128xi32, #tpu.memory_space<hbm>> -> memref<1x8x128xi32, #tpu.memory_space<hbm>>
          %dma_wait3A_56 = tpu.memref_squeeze %dma_wait3A_55 : memref<1x8x128xi32, #tpu.memory_space<hbm>> -> memref<8x128xi32, #tpu.memory_space<hbm>>
          tpu.wait_dma2 semaphore(%run_scoped3A_45 : memref<!tpu.dma_semaphore, #tpu.memory_space<semaphore_mem>>) src(%dma_wait3A_56 : memref<8x128xi32, #tpu.memory_space<hbm>>) dst(%arg9 : memref<8x128xi32, #tpu.memory_space<vmem>>)
          tpu.yield
        }) : () -> ()
        %dma_start3A = arith.constant 0 : i32
        %dma_start3A_26 = arith.constant 0 : i32
        %dma_start3A_27 = tpu.memref_slice %arg8[%dma_start3A, %dma_start3A_26] : memref<8x128xi32, #tpu.memory_space<vmem>> -> memref<1x128xi32, #tpu.memory_space<vmem>>
        %dma_start3A_28 = tpu.memref_squeeze %dma_start3A_27 : memref<1x128xi32, #tpu.memory_space<vmem>> -> memref<128xi32, #tpu.memory_space<vmem>>
        %dma_start3A_29 = arith.constant 0 : i32
        %dma_start3A_30 = arith.constant 0 : i32
        %dma_start3A_31 = tpu.memref_slice %arg3[%dma_start3A_29, %dma_start3A_30] : memref<10240x128xf32, #tpu.memory_space<hbm>> -> memref<10240x128xf32, #tpu.memory_space<hbm>>
        tpu.enqueue_indirect_dma source(%dma_start3A_31 : memref<10240x128xf32, #tpu.memory_space<hbm>>) target(%arg10 : memref<128x128xf32, #tpu.memory_space<vmem>>) offsets(%dma_start3A_28 : memref<128xi32, #tpu.memory_space<vmem>>) semaphore(%arg15 : memref<!tpu.dma_semaphore, #tpu.memory_space<semaphore_mem>>)
        %dma_start3A_32 = arith.constant 1 : i32
        %dma_start3A_33 = arith.constant 0 : i32
        %dma_start3A_34 = tpu.memref_slice %arg8[%dma_start3A_32, %dma_start3A_33] : memref<8x128xi32, #tpu.memory_space<vmem>> -> memref<1x128xi32, #tpu.memory_space<vmem>>
        %dma_start3A_35 = tpu.memref_squeeze %dma_start3A_34 : memref<1x128xi32, #tpu.memory_space<vmem>> -> memref<128xi32, #tpu.memory_space<vmem>>
        %dma_start3A_36 = arith.constant 0 : i32
        %dma_start3A_37 = arith.constant 0 : i32
        %dma_start3A_38 = tpu.memref_slice %arg3[%dma_start3A_36, %dma_start3A_37] : memref<10240x128xf32, #tpu.memory_space<hbm>> -> memref<10240x128xf32, #tpu.memory_space<hbm>>
        tpu.enqueue_indirect_dma source(%dma_start3A_38 : memref<10240x128xf32, #tpu.memory_space<hbm>>) target(%arg11 : memref<128x128xf32, #tpu.memory_space<vmem>>) offsets(%dma_start3A_35 : memref<128xi32, #tpu.memory_space<vmem>>) semaphore(%arg16 : memref<!tpu.dma_semaphore, #tpu.memory_space<semaphore_mem>>)
        %scan3A_39 = arith.constant 0 : i32
        %scan3A_40 = arith.constant 0 : i32
        %scan3A_41 = arith.constant 4 : i32
        %scan3A_42 = arith.addi %scan3A_40, %scan3A_41 : i32
        %scan3A_43 = arith.constant 1 : i32
        scf.for %scan3A_45 = %scan3A_40 to %scan3A_42 step %scan3A_43  : i32 {
          %mul3A_46 = arith.constant 2 : i32
          %mul3A_47 = arith.muli %scan3A_45, %mul3A_46 : i32
          %add3A_48 = arith.constant 0 : i32
          %add3A_49 = arith.addi %mul3A_47, %add3A_48 : i32
          %dma_wait3A = arith.constant 0 : i32
          %dma_wait3A_50 = tpu.memref_slice %arg8[%add3A_49, %dma_wait3A] : memref<8x128xi32, #tpu.memory_space<vmem>> -> memref<1x128xi32, #tpu.memory_space<vmem>>
          %dma_wait3A_51 = tpu.memref_squeeze %dma_wait3A_50 : memref<1x128xi32, #tpu.memory_space<vmem>> -> memref<128xi32, #tpu.memory_space<vmem>>
          %dma_wait3A_52 = arith.constant 0 : i32
          %dma_wait3A_53 = arith.constant 0 : i32
          %dma_wait3A_54 = tpu.memref_slice %arg3[%dma_wait3A_52, %dma_wait3A_53] : memref<10240x128xf32, #tpu.memory_space<hbm>> -> memref<10240x128xf32, #tpu.memory_space<hbm>>
          tpu.wait_indirect_dma semaphore(%arg15 : memref<!tpu.dma_semaphore, #tpu.memory_space<semaphore_mem>>) src(%dma_wait3A_54 : memref<10240x128xf32, #tpu.memory_space<hbm>>) dst(%arg10 : memref<128x128xf32, #tpu.memory_space<vmem>>)
          %add3A_55 = arith.constant 0 : i32
          %add3A_56 = arith.addi %mul3A_47, %add3A_55 : i32
          "tpu.region"() ({
            %run_scoped3A_76 = tpu.sem_alloc : memref<!tpu.dma_semaphore, #tpu.memory_space<semaphore_mem>>
            %dma_start3A_77 = arith.constant 0 : i32
            %dma_start3A_78 = tpu.memref_slice %arg9[%add3A_56, %dma_start3A_77] : memref<8x128xi32, #tpu.memory_space<vmem>> -> memref<1x128xi32, #tpu.memory_space<vmem>>
            %dma_start3A_79 = tpu.memref_squeeze %dma_start3A_78 : memref<1x128xi32, #tpu.memory_space<vmem>> -> memref<128xi32, #tpu.memory_space<vmem>>
            %dma_start3A_80 = arith.constant 0 : i32
            %dma_start3A_81 = arith.constant 0 : i32
            %dma_start3A_82 = tpu.memref_slice %arg13[%dma_start3A_80, %dma_start3A_81] : memref<10240x128xf32, #tpu.memory_space<vmem_shared>> -> memref<10240x128xf32, #tpu.memory_space<vmem_shared>>
            tpu.enqueue_indirect_dma source(%arg10 : memref<128x128xf32, #tpu.memory_space<vmem>>) target(%dma_start3A_82 : memref<10240x128xf32, #tpu.memory_space<vmem_shared>>) offsets(%dma_start3A_79 : memref<128xi32, #tpu.memory_space<vmem>>) semaphore(%run_scoped3A_76 : memref<!tpu.dma_semaphore, #tpu.memory_space<semaphore_mem>>) {add = true}
            %dma_wait3A_83 = arith.constant 0 : i32
            %dma_wait3A_84 = tpu.memref_slice %arg9[%add3A_56, %dma_wait3A_83] : memref<8x128xi32, #tpu.memory_space<vmem>> -> memref<1x128xi32, #tpu.memory_space<vmem>>
            %dma_wait3A_85 = tpu.memref_squeeze %dma_wait3A_84 : memref<1x128xi32, #tpu.memory_space<vmem>> -> memref<128xi32, #tpu.memory_space<vmem>>
            %dma_wait3A_86 = arith.constant 0 : i32
            %dma_wait3A_87 = arith.constant 0 : i32
            %dma_wait3A_88 = tpu.memref_slice %arg13[%dma_wait3A_86, %dma_wait3A_87] : memref<10240x128xf32, #tpu.memory_space<vmem_shared>> -> memref<10240x128xf32, #tpu.memory_space<vmem_shared>>
            tpu.wait_indirect_dma semaphore(%run_scoped3A_76 : memref<!tpu.dma_semaphore, #tpu.memory_space<semaphore_mem>>) src(%arg10 : memref<128x128xf32, #tpu.memory_space<vmem>>) dst(%dma_wait3A_88 : memref<10240x128xf32, #tpu.memory_space<vmem_shared>>)
            tpu.yield
          }) : () -> ()
          %lt3A = arith.constant 6 : i32
          %lt3A_57 = arith.cmpi slt, %mul3A_47, %lt3A : i32
          %convert_element_type3A_58 = arith.extui %lt3A_57 : i1 to i32
          %cond3A_59 = arith.constant 0 : i32
          %cond3A_60 = arith.cmpi ne, %convert_element_type3A_58, %cond3A_59 : i32
          scf.if %cond3A_60 {
            %add3A_76 = arith.constant 2 : i32
            %add3A_77 = arith.addi %mul3A_47, %add3A_76 : i32
            %add3A_78 = arith.constant 0 : i32
            %add3A_79 = arith.addi %add3A_77, %add3A_78 : i32
            %dma_start3A_80 = arith.constant 0 : i32
            %dma_start3A_81 = tpu.memref_slice %arg8[%add3A_79, %dma_start3A_80] : memref<8x128xi32, #tpu.memory_space<vmem>> -> memref<1x128xi32, #tpu.memory_space<vmem>>
            %dma_start3A_82 = tpu.memref_squeeze %dma_start3A_81 : memref<1x128xi32, #tpu.memory_space<vmem>> -> memref<128xi32, #tpu.memory_space<vmem>>
            %dma_start3A_83 = arith.constant 0 : i32
            %dma_start3A_84 = arith.constant 0 : i32
            %dma_start3A_85 = tpu.memref_slice %arg3[%dma_start3A_83, %dma_start3A_84] : memref<10240x128xf32, #tpu.memory_space<hbm>> -> memref<10240x128xf32, #tpu.memory_space<hbm>>
            tpu.enqueue_indirect_dma source(%dma_start3A_85 : memref<10240x128xf32, #tpu.memory_space<hbm>>) target(%arg10 : memref<128x128xf32, #tpu.memory_space<vmem>>) offsets(%dma_start3A_82 : memref<128xi32, #tpu.memory_space<vmem>>) semaphore(%arg15 : memref<!tpu.dma_semaphore, #tpu.memory_space<semaphore_mem>>)
          } else {
          }
          %add3A_61 = arith.constant 1 : i32
          %add3A_62 = arith.addi %mul3A_47, %add3A_61 : i32
          %dma_wait3A_63 = arith.constant 0 : i32
          %dma_wait3A_64 = tpu.memref_slice %arg8[%add3A_62, %dma_wait3A_63] : memref<8x128xi32, #tpu.memory_space<vmem>> -> memref<1x128xi32, #tpu.memory_space<vmem>>
          %dma_wait3A_65 = tpu.memref_squeeze %dma_wait3A_64 : memref<1x128xi32, #tpu.memory_space<vmem>> -> memref<128xi32, #tpu.memory_space<vmem>>
          %dma_wait3A_66 = arith.constant 0 : i32
          %dma_wait3A_67 = arith.constant 0 : i32
          %dma_wait3A_68 = tpu.memref_slice %arg3[%dma_wait3A_66, %dma_wait3A_67] : memref<10240x128xf32, #tpu.memory_space<hbm>> -> memref<10240x128xf32, #tpu.memory_space<hbm>>
          tpu.wait_indirect_dma semaphore(%arg16 : memref<!tpu.dma_semaphore, #tpu.memory_space<semaphore_mem>>) src(%dma_wait3A_68 : memref<10240x128xf32, #tpu.memory_space<hbm>>) dst(%arg11 : memref<128x128xf32, #tpu.memory_space<vmem>>)
          %add3A_69 = arith.constant 1 : i32
          %add3A_70 = arith.addi %mul3A_47, %add3A_69 : i32
          "tpu.region"() ({
            %run_scoped3A_76 = tpu.sem_alloc : memref<!tpu.dma_semaphore, #tpu.memory_space<semaphore_mem>>
            %dma_start3A_77 = arith.constant 0 : i32
            %dma_start3A_78 = tpu.memref_slice %arg9[%add3A_70, %dma_start3A_77] : memref<8x128xi32, #tpu.memory_space<vmem>> -> memref<1x128xi32, #tpu.memory_space<vmem>>
            %dma_start3A_79 = tpu.memref_squeeze %dma_start3A_78 : memref<1x128xi32, #tpu.memory_space<vmem>> -> memref<128xi32, #tpu.memory_space<vmem>>
            %dma_start3A_80 = arith.constant 0 : i32
            %dma_start3A_81 = arith.constant 0 : i32
            %dma_start3A_82 = tpu.memref_slice %arg13[%dma_start3A_80, %dma_start3A_81] : memref<10240x128xf32, #tpu.memory_space<vmem_shared>> -> memref<10240x128xf32, #tpu.memory_space<vmem_shared>>
            tpu.enqueue_indirect_dma source(%arg11 : memref<128x128xf32, #tpu.memory_space<vmem>>) target(%dma_start3A_82 : memref<10240x128xf32, #tpu.memory_space<vmem_shared>>) offsets(%dma_start3A_79 : memref<128xi32, #tpu.memory_space<vmem>>) semaphore(%run_scoped3A_76 : memref<!tpu.dma_semaphore, #tpu.memory_space<semaphore_mem>>) {add = true}
            %dma_wait3A_83 = arith.constant 0 : i32
            %dma_wait3A_84 = tpu.memref_slice %arg9[%add3A_70, %dma_wait3A_83] : memref<8x128xi32, #tpu.memory_space<vmem>> -> memref<1x128xi32, #tpu.memory_space<vmem>>
            %dma_wait3A_85 = tpu.memref_squeeze %dma_wait3A_84 : memref<1x128xi32, #tpu.memory_space<vmem>> -> memref<128xi32, #tpu.memory_space<vmem>>
            %dma_wait3A_86 = arith.constant 0 : i32
            %dma_wait3A_87 = arith.constant 0 : i32
            %dma_wait3A_88 = tpu.memref_slice %arg13[%dma_wait3A_86, %dma_wait3A_87] : memref<10240x128xf32, #tpu.memory_space<vmem_shared>> -> memref<10240x128xf32, #tpu.memory_space<vmem_shared>>
            tpu.wait_indirect_dma semaphore(%run_scoped3A_76 : memref<!tpu.dma_semaphore, #tpu.memory_space<semaphore_mem>>) src(%arg11 : memref<128x128xf32, #tpu.memory_space<vmem>>) dst(%dma_wait3A_88 : memref<10240x128xf32, #tpu.memory_space<vmem_shared>>)
            tpu.yield
          }) : () -> ()
          %lt3A_71 = arith.constant 6 : i32
          %lt3A_72 = arith.cmpi slt, %mul3A_47, %lt3A_71 : i32
          %convert_element_type3A_73 = arith.extui %lt3A_72 : i1 to i32
          %cond3A_74 = arith.constant 0 : i32
          %cond3A_75 = arith.cmpi ne, %convert_element_type3A_73, %cond3A_74 : i32
          scf.if %cond3A_75 {
            %add3A_76 = arith.constant 2 : i32
            %add3A_77 = arith.addi %mul3A_47, %add3A_76 : i32
            %add3A_78 = arith.constant 1 : i32
            %add3A_79 = arith.addi %add3A_77, %add3A_78 : i32
            %dma_start3A_80 = arith.constant 0 : i32
            %dma_start3A_81 = tpu.memref_slice %arg8[%add3A_79, %dma_start3A_80] : memref<8x128xi32, #tpu.memory_space<vmem>> -> memref<1x128xi32, #tpu.memory_space<vmem>>
            %dma_start3A_82 = tpu.memref_squeeze %dma_start3A_81 : memref<1x128xi32, #tpu.memory_space<vmem>> -> memref<128xi32, #tpu.memory_space<vmem>>
            %dma_start3A_83 = arith.constant 0 : i32
            %dma_start3A_84 = arith.constant 0 : i32
            %dma_start3A_85 = tpu.memref_slice %arg3[%dma_start3A_83, %dma_start3A_84] : memref<10240x128xf32, #tpu.memory_space<hbm>> -> memref<10240x128xf32, #tpu.memory_space<hbm>>
            tpu.enqueue_indirect_dma source(%dma_start3A_85 : memref<10240x128xf32, #tpu.memory_space<hbm>>) target(%arg11 : memref<128x128xf32, #tpu.memory_space<vmem>>) offsets(%dma_start3A_82 : memref<128xi32, #tpu.memory_space<vmem>>) semaphore(%arg16 : memref<!tpu.dma_semaphore, #tpu.memory_space<semaphore_mem>>)
          } else {
          }
        }
        %scan3A_44 = arith.constant 4 : i32
      }
      %scan3A_16 = arith.constant 20 : i32
      %barrier3A_17 = arith.constant 0 : index
      tpu.barrier barrier_id(%barrier3A_17)
      %mul3A_18 = arith.constant 640 : i32
      %mul3A_19 = arith.muli %arg1, %mul3A_18 : i32
      %mul3A_20 = arith.constant 640 : i32
      %mul3A_21 = arith.muli %arg1, %mul3A_20 : i32
      "tpu.region"() ({
        %run_scoped3A = tpu.sem_alloc : memref<!tpu.dma_semaphore, #tpu.memory_space<semaphore_mem>>
        %dma_start3A = arith.constant 0 : i32
        %dma_start3A_22 = tpu.memref_slice %arg6[%mul3A_21, %dma_start3A] : memref<10240x128xf32, #tpu.memory_space<hbm>> -> memref<640x128xf32, #tpu.memory_space<hbm>>
        %dma_start3A_23 = arith.constant 0 : i32
        %dma_start3A_24 = tpu.memref_slice %arg13[%mul3A_19, %dma_start3A_23] : memref<10240x128xf32, #tpu.memory_space<vmem_shared>> -> memref<640x128xf32, #tpu.memory_space<vmem_shared>>
        tpu.enqueue_dma source(%dma_start3A_24 : memref<640x128xf32, #tpu.memory_space<vmem_shared>>) target(%dma_start3A_22 : memref<640x128xf32, #tpu.memory_space<hbm>>) target_semaphore(%run_scoped3A : memref<!tpu.dma_semaphore, #tpu.memory_space<semaphore_mem>>)
        %dma_wait3A = arith.constant 0 : i32
        %dma_wait3A_25 = tpu.memref_slice %arg6[%mul3A_21, %dma_wait3A] : memref<10240x128xf32, #tpu.memory_space<hbm>> -> memref<640x128xf32, #tpu.memory_space<hbm>>
        %dma_wait3A_26 = arith.constant 0 : i32
        %dma_wait3A_27 = tpu.memref_slice %arg13[%mul3A_19, %dma_wait3A_26] : memref<10240x128xf32, #tpu.memory_space<vmem_shared>> -> memref<640x128xf32, #tpu.memory_space<vmem_shared>>
        tpu.wait_dma2 semaphore(%run_scoped3A : memref<!tpu.dma_semaphore, #tpu.memory_space<semaphore_mem>>) src(%dma_wait3A_27 : memref<640x128xf32, #tpu.memory_space<vmem_shared>>) dst(%dma_wait3A_25 : memref<640x128xf32, #tpu.memory_space<hbm>>)
        tpu.yield
      }) : () -> ()
    } else {
    }
    %eq3A_2 = arith.constant 1 : i32
    %eq3A_3 = arith.cmpi eq, %arg0, %eq3A_2 : i32
    %convert_element_type3A_4 = arith.extui %eq3A_3 : i1 to i32
    %cond3A_5 = arith.constant 0 : i32
    %cond3A_6 = arith.cmpi ne, %convert_element_type3A_4, %cond3A_5 : i32
    scf.if %cond3A_6 {
      %broadcast_in_dim3A = arith.constant 1.000000e+00 : f32
      %broadcast_in_dim3A_7 = vector.broadcast %broadcast_in_dim3A : f32 to vector<16xf32>
      %swap3A = arith.constant 0 : index
      %swap3A_8 = tpu.vector_load %arg12[%swap3A] {strides = array<i32>} : memref<128xf32, #tpu.memory_space<vmem>>, vector<16xf32>,
      %swap3A_9 = vector.shape_cast %swap3A_8 : vector<16xf32> to vector<16xf32>
      %swap3A_10 = vector.shape_cast %broadcast_in_dim3A_7 : vector<16xf32> to vector<16xf32>
      tpu.vector_store %arg12[%swap3A], %swap3A_10 {strides = array<i32>} : memref<128xf32, #tpu.memory_space<vmem>>, vector<16xf32>,
      %broadcast_in_dim3A_11 = arith.constant 1.000000e+00 : f32
      %broadcast_in_dim3A_12 = vector.broadcast %broadcast_in_dim3A_11 : f32 to vector<16xf32>
      %swap3A_13 = arith.constant 16 : index
      %swap3A_14 = tpu.vector_load %arg12[%swap3A_13] {strides = array<i32>} : memref<128xf32, #tpu.memory_space<vmem>>, vector<16xf32>,
      %swap3A_15 = vector.shape_cast %swap3A_14 : vector<16xf32> to vector<16xf32>
      %swap3A_16 = vector.shape_cast %broadcast_in_dim3A_12 : vector<16xf32> to vector<16xf32>
      tpu.vector_store %arg12[%swap3A_13], %swap3A_16 {strides = array<i32>} : memref<128xf32, #tpu.memory_space<vmem>>, vector<16xf32>,
      %broadcast_in_dim3A_17 = arith.constant 1.000000e+00 : f32
      %broadcast_in_dim3A_18 = vector.broadcast %broadcast_in_dim3A_17 : f32 to vector<16xf32>
      %swap3A_19 = arith.constant 32 : index
      %swap3A_20 = tpu.vector_load %arg12[%swap3A_19] {strides = array<i32>} : memref<128xf32, #tpu.memory_space<vmem>>, vector<16xf32>,
      %swap3A_21 = vector.shape_cast %swap3A_20 : vector<16xf32> to vector<16xf32>
      %swap3A_22 = vector.shape_cast %broadcast_in_dim3A_18 : vector<16xf32> to vector<16xf32>
      tpu.vector_store %arg12[%swap3A_19], %swap3A_22 {strides = array<i32>} : memref<128xf32, #tpu.memory_space<vmem>>, vector<16xf32>,
      %broadcast_in_dim3A_23 = arith.constant 1.000000e+00 : f32
      %broadcast_in_dim3A_24 = vector.broadcast %broadcast_in_dim3A_23 : f32 to vector<16xf32>
      %swap3A_25 = arith.constant 48 : index
      %swap3A_26 = tpu.vector_load %arg12[%swap3A_25] {strides = array<i32>} : memref<128xf32, #tpu.memory_space<vmem>>, vector<16xf32>,
      %swap3A_27 = vector.shape_cast %swap3A_26 : vector<16xf32> to vector<16xf32>
      %swap3A_28 = vector.shape_cast %broadcast_in_dim3A_24 : vector<16xf32> to vector<16xf32>
      tpu.vector_store %arg12[%swap3A_25], %swap3A_28 {strides = array<i32>} : memref<128xf32, #tpu.memory_space<vmem>>, vector<16xf32>,
      %broadcast_in_dim3A_29 = arith.constant 1.000000e+00 : f32
      %broadcast_in_dim3A_30 = vector.broadcast %broadcast_in_dim3A_29 : f32 to vector<16xf32>
      %swap3A_31 = arith.constant 64 : index
      %swap3A_32 = tpu.vector_load %arg12[%swap3A_31] {strides = array<i32>} : memref<128xf32, #tpu.memory_space<vmem>>, vector<16xf32>,
      %swap3A_33 = vector.shape_cast %swap3A_32 : vector<16xf32> to vector<16xf32>
      %swap3A_34 = vector.shape_cast %broadcast_in_dim3A_30 : vector<16xf32> to vector<16xf32>
      tpu.vector_store %arg12[%swap3A_31], %swap3A_34 {strides = array<i32>} : memref<128xf32, #tpu.memory_space<vmem>>, vector<16xf32>,
      %broadcast_in_dim3A_35 = arith.constant 1.000000e+00 : f32
      %broadcast_in_dim3A_36 = vector.broadcast %broadcast_in_dim3A_35 : f32 to vector<16xf32>
      %swap3A_37 = arith.constant 80 : index
      %swap3A_38 = tpu.vector_load %arg12[%swap3A_37] {strides = array<i32>} : memref<128xf32, #tpu.memory_space<vmem>>, vector<16xf32>,
      %swap3A_39 = vector.shape_cast %swap3A_38 : vector<16xf32> to vector<16xf32>
      %swap3A_40 = vector.shape_cast %broadcast_in_dim3A_36 : vector<16xf32> to vector<16xf32>
      tpu.vector_store %arg12[%swap3A_37], %swap3A_40 {strides = array<i32>} : memref<128xf32, #tpu.memory_space<vmem>>, vector<16xf32>,
      %broadcast_in_dim3A_41 = arith.constant 1.000000e+00 : f32
      %broadcast_in_dim3A_42 = vector.broadcast %broadcast_in_dim3A_41 : f32 to vector<16xf32>
      %swap3A_43 = arith.constant 96 : index
      %swap3A_44 = tpu.vector_load %arg12[%swap3A_43] {strides = array<i32>} : memref<128xf32, #tpu.memory_space<vmem>>, vector<16xf32>,
      %swap3A_45 = vector.shape_cast %swap3A_44 : vector<16xf32> to vector<16xf32>
      %swap3A_46 = vector.shape_cast %broadcast_in_dim3A_42 : vector<16xf32> to vector<16xf32>
      tpu.vector_store %arg12[%swap3A_43], %swap3A_46 {strides = array<i32>} : memref<128xf32, #tpu.memory_space<vmem>>, vector<16xf32>,
      %broadcast_in_dim3A_47 = arith.constant 1.000000e+00 : f32
      %broadcast_in_dim3A_48 = vector.broadcast %broadcast_in_dim3A_47 : f32 to vector<16xf32>
      %swap3A_49 = arith.constant 112 : index
      %swap3A_50 = tpu.vector_load %arg12[%swap3A_49] {strides = array<i32>} : memref<128xf32, #tpu.memory_space<vmem>>, vector<16xf32>,
      %swap3A_51 = vector.shape_cast %swap3A_50 : vector<16xf32> to vector<16xf32>
      %swap3A_52 = vector.shape_cast %broadcast_in_dim3A_48 : vector<16xf32> to vector<16xf32>
      tpu.vector_store %arg12[%swap3A_49], %swap3A_52 {strides = array<i32>} : memref<128xf32, #tpu.memory_space<vmem>>, vector<16xf32>,
      %mul3A = arith.constant 640 : i32
      %mul3A_53 = arith.muli %arg1, %mul3A : i32
      %mul3A_54 = arith.constant 640 : i32
      %mul3A_55 = arith.muli %arg1, %mul3A_54 : i32
      "tpu.region"() ({
        %run_scoped3A = tpu.sem_alloc : memref<!tpu.dma_semaphore, #tpu.memory_space<semaphore_mem>>
        %dma_start3A = tpu.memref_slice %arg14[%mul3A_55] : memref<10240xf32, #tpu.memory_space<vmem_shared>> -> memref<640xf32, #tpu.memory_space<vmem_shared>>
        %dma_start3A_68 = tpu.memref_slice %arg5[%mul3A_53] : memref<10240xf32, #tpu.memory_space<hbm>> -> memref<640xf32, #tpu.memory_space<hbm>>
        tpu.enqueue_dma source(%dma_start3A_68 : memref<640xf32, #tpu.memory_space<hbm>>) target(%dma_start3A : memref<640xf32, #tpu.memory_space<vmem_shared>>) target_semaphore(%run_scoped3A : memref<!tpu.dma_semaphore, #tpu.memory_space<semaphore_mem>>)
        %dma_wait3A = tpu.memref_slice %arg14[%mul3A_55] : memref<10240xf32, #tpu.memory_space<vmem_shared>> -> memref<640xf32, #tpu.memory_space<vmem_shared>>
        %dma_wait3A_69 = tpu.memref_slice %arg5[%mul3A_53] : memref<10240xf32, #tpu.memory_space<hbm>> -> memref<640xf32, #tpu.memory_space<hbm>>
        tpu.wait_dma2 semaphore(%run_scoped3A : memref<!tpu.dma_semaphore, #tpu.memory_space<semaphore_mem>>) src(%dma_wait3A_69 : memref<640xf32, #tpu.memory_space<hbm>>) dst(%dma_wait3A : memref<640xf32, #tpu.memory_space<vmem_shared>>)
        tpu.yield
      }) : () -> ()
      %barrier3A = arith.constant 0 : index
      tpu.barrier barrier_id(%barrier3A)
      %mul3A_56 = arith.constant 160 : i32
      %mul3A_57 = arith.muli %arg1, %mul3A_56 : i32
      %scan3A = arith.constant 0 : i32
      %scan3A_58 = arith.constant 0 : i32
      %scan3A_59 = arith.constant 20 : i32
      %scan3A_60 = arith.addi %scan3A_58, %scan3A_59 : i32
      %scan3A_61 = arith.constant 1 : i32
      scf.for %scan3A_68 = %scan3A_58 to %scan3A_60 step %scan3A_61  : i32 {
        %mul3A_69 = arith.constant 8 : i32
        %mul3A_70 = arith.muli %scan3A_68, %mul3A_69 : i32
        %add3A = arith.addi %mul3A_57, %mul3A_70 : i32
        %run_scoped3A = arith.constant 1 : i32
        "tpu.region"() ({
          %run_scoped3A_77 = tpu.sem_alloc : memref<!tpu.dma_semaphore, #tpu.memory_space<semaphore_mem>>
          %dma_start3A = arith.constant 0 : i32
          %dma_start3A_78 = tpu.memref_slice %arg2[%run_scoped3A, %add3A, %dma_start3A] : memref<2x2560x128xi32, #tpu.memory_space<hbm>> -> memref<1x8x128xi32, #tpu.memory_space<hbm>>
          %dma_start3A_79 = tpu.memref_squeeze %dma_start3A_78 : memref<1x8x128xi32, #tpu.memory_space<hbm>> -> memref<8x128xi32, #tpu.memory_space<hbm>>
          %dma_start3A_80 = arith.constant 0 : i32
          %dma_start3A_81 = tpu.memref_slice %arg2[%run_scoped3A, %add3A, %dma_start3A_80] : memref<2x2560x128xi32, #tpu.memory_space<hbm>> -> memref<1x8x128xi32, #tpu.memory_space<hbm>>
          %dma_start3A_82 = tpu.memref_squeeze %dma_start3A_81 : memref<1x8x128xi32, #tpu.memory_space<hbm>> -> memref<8x128xi32, #tpu.memory_space<hbm>>
          tpu.enqueue_dma source(%dma_start3A_82 : memref<8x128xi32, #tpu.memory_space<hbm>>) target(%arg9 : memref<8x128xi32, #tpu.memory_space<vmem>>) target_semaphore(%run_scoped3A_77 : memref<!tpu.dma_semaphore, #tpu.memory_space<semaphore_mem>>)
          %dma_wait3A = arith.constant 0 : i32
          %dma_wait3A_83 = tpu.memref_slice %arg2[%run_scoped3A, %add3A, %dma_wait3A] : memref<2x2560x128xi32, #tpu.memory_space<hbm>> -> memref<1x8x128xi32, #tpu.memory_space<hbm>>
          %dma_wait3A_84 = tpu.memref_squeeze %dma_wait3A_83 : memref<1x8x128xi32, #tpu.memory_space<hbm>> -> memref<8x128xi32, #tpu.memory_space<hbm>>
          %dma_wait3A_85 = arith.constant 0 : i32
          %dma_wait3A_86 = tpu.memref_slice %arg2[%run_scoped3A, %add3A, %dma_wait3A_85] : memref<2x2560x128xi32, #tpu.memory_space<hbm>> -> memref<1x8x128xi32, #tpu.memory_space<hbm>>
          %dma_wait3A_87 = tpu.memref_squeeze %dma_wait3A_86 : memref<1x8x128xi32, #tpu.memory_space<hbm>> -> memref<8x128xi32, #tpu.memory_space<hbm>>
          tpu.wait_dma2 semaphore(%run_scoped3A_77 : memref<!tpu.dma_semaphore, #tpu.memory_space<semaphore_mem>>) src(%dma_wait3A_87 : memref<8x128xi32, #tpu.memory_space<hbm>>) dst(%arg9 : memref<8x128xi32, #tpu.memory_space<vmem>>)
          tpu.yield
        }) : () -> ()
        %scan3A_71 = arith.constant 0 : i32
        %scan3A_72 = arith.constant 0 : i32
        %scan3A_73 = arith.constant 8 : i32
        %scan3A_74 = arith.addi %scan3A_72, %scan3A_73 : i32
        %scan3A_75 = arith.constant 1 : i32
        scf.for %scan3A_77 = %scan3A_72 to %scan3A_74 step %scan3A_75  : i32 {
          "tpu.region"() ({
            %run_scoped3A_78 = tpu.sem_alloc : memref<!tpu.dma_semaphore, #tpu.memory_space<semaphore_mem>>
            %dma_start3A = arith.constant 0 : i32
            %dma_start3A_79 = tpu.memref_slice %arg9[%scan3A_77, %dma_start3A] : memref<8x128xi32, #tpu.memory_space<vmem>> -> memref<1x128xi32, #tpu.memory_space<vmem>>
            %dma_start3A_80 = tpu.memref_squeeze %dma_start3A_79 : memref<1x128xi32, #tpu.memory_space<vmem>> -> memref<128xi32, #tpu.memory_space<vmem>>
            %dma_start3A_81 = arith.constant 0 : i32
            %dma_start3A_82 = tpu.memref_slice %arg14[%dma_start3A_81] : memref<10240xf32, #tpu.memory_space<vmem_shared>> -> memref<10240xf32, #tpu.memory_space<vmem_shared>>
            tpu.enqueue_indirect_dma source(%arg12 : memref<128xf32, #tpu.memory_space<vmem>>) target(%dma_start3A_82 : memref<10240xf32, #tpu.memory_space<vmem_shared>>) offsets(%dma_start3A_80 : memref<128xi32, #tpu.memory_space<vmem>>) semaphore(%run_scoped3A_78 : memref<!tpu.dma_semaphore, #tpu.memory_space<semaphore_mem>>) {add = true}
            %dma_wait3A = arith.constant 0 : i32
            %dma_wait3A_83 = tpu.memref_slice %arg9[%scan3A_77, %dma_wait3A] : memref<8x128xi32, #tpu.memory_space<vmem>> -> memref<1x128xi32, #tpu.memory_space<vmem>>
            %dma_wait3A_84 = tpu.memref_squeeze %dma_wait3A_83 : memref<1x128xi32, #tpu.memory_space<vmem>> -> memref<128xi32, #tpu.memory_space<vmem>>
            %dma_wait3A_85 = arith.constant 0 : i32
            %dma_wait3A_86 = tpu.memref_slice %arg14[%dma_wait3A_85] : memref<10240xf32, #tpu.memory_space<vmem_shared>> -> memref<10240xf32, #tpu.memory_space<vmem_shared>>
            tpu.wait_indirect_dma semaphore(%run_scoped3A_78 : memref<!tpu.dma_semaphore, #tpu.memory_space<semaphore_mem>>) src(%arg12 : memref<128xf32, #tpu.memory_space<vmem>>) dst(%dma_wait3A_86 : memref<10240xf32, #tpu.memory_space<vmem_shared>>)
            tpu.yield
          }) : () -> ()
        }
        %scan3A_76 = arith.constant 8 : i32
      }
      %scan3A_62 = arith.constant 20 : i32
      %barrier3A_63 = arith.constant 0 : index
      tpu.barrier barrier_id(%barrier3A_63)
      %mul3A_64 = arith.constant 640 : i32
      %mul3A_65 = arith.muli %arg1, %mul3A_64 : i32
      %mul3A_66 = arith.constant 640 : i32
      %mul3A_67 = arith.muli %arg1, %mul3A_66 : i32
      "tpu.region"() ({
        %run_scoped3A = tpu.sem_alloc : memref<!tpu.dma_semaphore, #tpu.memory_space<semaphore_mem>>
        %dma_start3A = tpu.memref_slice %arg7[%mul3A_67] : memref<10240xf32, #tpu.memory_space<hbm>> -> memref<640xf32, #tpu.memory_space<hbm>>
        %dma_start3A_68 = tpu.memref_slice %arg14[%mul3A_65] : memref<10240xf32, #tpu.memory_space<vmem_shared>> -> memref<640xf32, #tpu.memory_space<vmem_shared>>
        tpu.enqueue_dma source(%dma_start3A_68 : memref<640xf32, #tpu.memory_space<vmem_shared>>) target(%dma_start3A : memref<640xf32, #tpu.memory_space<hbm>>) target_semaphore(%run_scoped3A : memref<!tpu.dma_semaphore, #tpu.memory_space<semaphore_mem>>)
        %dma_wait3A = tpu.memref_slice %arg7[%mul3A_67] : memref<10240xf32, #tpu.memory_space<hbm>> -> memref<640xf32, #tpu.memory_space<hbm>>
        %dma_wait3A_69 = tpu.memref_slice %arg14[%mul3A_65] : memref<10240xf32, #tpu.memory_space<vmem_shared>> -> memref<640xf32, #tpu.memory_space<vmem_shared>>
        tpu.wait_dma2 semaphore(%run_scoped3A : memref<!tpu.dma_semaphore, #tpu.memory_space<semaphore_mem>>) src(%dma_wait3A_69 : memref<640xf32, #tpu.memory_space<vmem_shared>>) dst(%dma_wait3A : memref<640xf32, #tpu.memory_space<hbm>>)
        tpu.yield
      }) : () -> ()
    } else {
    }
    return
  }
}

#map = affine_map<(d0, d1) -> (0, 0, 0)>
#map1 = affine_map<(d0, d1) -> (0)>
#map2 = affine_map<(d0, d1) -> (0, 0)>
module attributes {stable_mosaic.version = 14 : i64} {
  func.func @_deg_body(%arg0: i32, %arg1: i32, %arg2: memref<2x2560x128xi32, #tpu.memory_space<hbm>>, %arg3: memref<10240xf32, #tpu.memory_space<hbm>>, %arg4: memref<2x10240xf32, #tpu.memory_space<hbm>>, %arg5: memref<80x128xi32, #tpu.memory_space<vmem>>, %arg6: memref<128xf32, #tpu.memory_space<vmem>>, %arg7: memref<10240xf32, #tpu.memory_space<vmem_shared>>) attributes {dimension_semantics = [#tpu.dimension_semantics<core_parallel>, #tpu.dimension_semantics<subcore_parallel>], iteration_bounds = array<i64: 2, 16>, scalar_prefetch = 0 : i64, scratch_operands = 3 : i64, tpu.core_type = #tpu.core_type<sc_vector_subcore>, window_params = [{transform_indices = #map}, {transform_indices = #map1}, {transform_indices = #map2}]} {
    %mul3A = arith.constant 2 : i32
    %mul3A_0 = arith.muli %arg1, %mul3A : i32
    %add3A = arith.addi %mul3A_0, %arg0 : i32
    %broadcast_in_dim3A = arith.constant 1.000000e+00 : f32
    %broadcast_in_dim3A_1 = vector.broadcast %broadcast_in_dim3A : f32 to vector<16xf32>
    %swap3A = arith.constant 0 : index
    %swap3A_2 = tpu.vector_load %arg6[%swap3A] {strides = array<i32>} : memref<128xf32, #tpu.memory_space<vmem>>, vector<16xf32>,
    %swap3A_3 = vector.shape_cast %swap3A_2 : vector<16xf32> to vector<16xf32>
    %swap3A_4 = vector.shape_cast %broadcast_in_dim3A_1 : vector<16xf32> to vector<16xf32>
    tpu.vector_store %arg6[%swap3A], %swap3A_4 {strides = array<i32>} : memref<128xf32, #tpu.memory_space<vmem>>, vector<16xf32>,
    %broadcast_in_dim3A_5 = arith.constant 1.000000e+00 : f32
    %broadcast_in_dim3A_6 = vector.broadcast %broadcast_in_dim3A_5 : f32 to vector<16xf32>
    %swap3A_7 = arith.constant 16 : index
    %swap3A_8 = tpu.vector_load %arg6[%swap3A_7] {strides = array<i32>} : memref<128xf32, #tpu.memory_space<vmem>>, vector<16xf32>,
    %swap3A_9 = vector.shape_cast %swap3A_8 : vector<16xf32> to vector<16xf32>
    %swap3A_10 = vector.shape_cast %broadcast_in_dim3A_6 : vector<16xf32> to vector<16xf32>
    tpu.vector_store %arg6[%swap3A_7], %swap3A_10 {strides = array<i32>} : memref<128xf32, #tpu.memory_space<vmem>>, vector<16xf32>,
    %broadcast_in_dim3A_11 = arith.constant 1.000000e+00 : f32
    %broadcast_in_dim3A_12 = vector.broadcast %broadcast_in_dim3A_11 : f32 to vector<16xf32>
    %swap3A_13 = arith.constant 32 : index
    %swap3A_14 = tpu.vector_load %arg6[%swap3A_13] {strides = array<i32>} : memref<128xf32, #tpu.memory_space<vmem>>, vector<16xf32>,
    %swap3A_15 = vector.shape_cast %swap3A_14 : vector<16xf32> to vector<16xf32>
    %swap3A_16 = vector.shape_cast %broadcast_in_dim3A_12 : vector<16xf32> to vector<16xf32>
    tpu.vector_store %arg6[%swap3A_13], %swap3A_16 {strides = array<i32>} : memref<128xf32, #tpu.memory_space<vmem>>, vector<16xf32>,
    %broadcast_in_dim3A_17 = arith.constant 1.000000e+00 : f32
    %broadcast_in_dim3A_18 = vector.broadcast %broadcast_in_dim3A_17 : f32 to vector<16xf32>
    %swap3A_19 = arith.constant 48 : index
    %swap3A_20 = tpu.vector_load %arg6[%swap3A_19] {strides = array<i32>} : memref<128xf32, #tpu.memory_space<vmem>>, vector<16xf32>,
    %swap3A_21 = vector.shape_cast %swap3A_20 : vector<16xf32> to vector<16xf32>
    %swap3A_22 = vector.shape_cast %broadcast_in_dim3A_18 : vector<16xf32> to vector<16xf32>
    tpu.vector_store %arg6[%swap3A_19], %swap3A_22 {strides = array<i32>} : memref<128xf32, #tpu.memory_space<vmem>>, vector<16xf32>,
    %broadcast_in_dim3A_23 = arith.constant 1.000000e+00 : f32
    %broadcast_in_dim3A_24 = vector.broadcast %broadcast_in_dim3A_23 : f32 to vector<16xf32>
    %swap3A_25 = arith.constant 64 : index
    %swap3A_26 = tpu.vector_load %arg6[%swap3A_25] {strides = array<i32>} : memref<128xf32, #tpu.memory_space<vmem>>, vector<16xf32>,
    %swap3A_27 = vector.shape_cast %swap3A_26 : vector<16xf32> to vector<16xf32>
    %swap3A_28 = vector.shape_cast %broadcast_in_dim3A_24 : vector<16xf32> to vector<16xf32>
    tpu.vector_store %arg6[%swap3A_25], %swap3A_28 {strides = array<i32>} : memref<128xf32, #tpu.memory_space<vmem>>, vector<16xf32>,
    %broadcast_in_dim3A_29 = arith.constant 1.000000e+00 : f32
    %broadcast_in_dim3A_30 = vector.broadcast %broadcast_in_dim3A_29 : f32 to vector<16xf32>
    %swap3A_31 = arith.constant 80 : index
    %swap3A_32 = tpu.vector_load %arg6[%swap3A_31] {strides = array<i32>} : memref<128xf32, #tpu.memory_space<vmem>>, vector<16xf32>,
    %swap3A_33 = vector.shape_cast %swap3A_32 : vector<16xf32> to vector<16xf32>
    %swap3A_34 = vector.shape_cast %broadcast_in_dim3A_30 : vector<16xf32> to vector<16xf32>
    tpu.vector_store %arg6[%swap3A_31], %swap3A_34 {strides = array<i32>} : memref<128xf32, #tpu.memory_space<vmem>>, vector<16xf32>,
    %broadcast_in_dim3A_35 = arith.constant 1.000000e+00 : f32
    %broadcast_in_dim3A_36 = vector.broadcast %broadcast_in_dim3A_35 : f32 to vector<16xf32>
    %swap3A_37 = arith.constant 96 : index
    %swap3A_38 = tpu.vector_load %arg6[%swap3A_37] {strides = array<i32>} : memref<128xf32, #tpu.memory_space<vmem>>, vector<16xf32>,
    %swap3A_39 = vector.shape_cast %swap3A_38 : vector<16xf32> to vector<16xf32>
    %swap3A_40 = vector.shape_cast %broadcast_in_dim3A_36 : vector<16xf32> to vector<16xf32>
    tpu.vector_store %arg6[%swap3A_37], %swap3A_40 {strides = array<i32>} : memref<128xf32, #tpu.memory_space<vmem>>, vector<16xf32>,
    %broadcast_in_dim3A_41 = arith.constant 1.000000e+00 : f32
    %broadcast_in_dim3A_42 = vector.broadcast %broadcast_in_dim3A_41 : f32 to vector<16xf32>
    %swap3A_43 = arith.constant 112 : index
    %swap3A_44 = tpu.vector_load %arg6[%swap3A_43] {strides = array<i32>} : memref<128xf32, #tpu.memory_space<vmem>>, vector<16xf32>,
    %swap3A_45 = vector.shape_cast %swap3A_44 : vector<16xf32> to vector<16xf32>
    %swap3A_46 = vector.shape_cast %broadcast_in_dim3A_42 : vector<16xf32> to vector<16xf32>
    tpu.vector_store %arg6[%swap3A_43], %swap3A_46 {strides = array<i32>} : memref<128xf32, #tpu.memory_space<vmem>>, vector<16xf32>,
    %mul3A_47 = arith.constant 640 : i32
    %mul3A_48 = arith.muli %arg1, %mul3A_47 : i32
    %mul3A_49 = arith.constant 640 : i32
    %mul3A_50 = arith.muli %arg1, %mul3A_49 : i32
    "tpu.region"() ({
      %run_scoped3A_63 = tpu.sem_alloc : memref<!tpu.dma_semaphore, #tpu.memory_space<semaphore_mem>>
      %dma_start3A = tpu.memref_slice %arg7[%mul3A_50] : memref<10240xf32, #tpu.memory_space<vmem_shared>> -> memref<640xf32, #tpu.memory_space<vmem_shared>>
      %dma_start3A_64 = tpu.memref_slice %arg3[%mul3A_48] : memref<10240xf32, #tpu.memory_space<hbm>> -> memref<640xf32, #tpu.memory_space<hbm>>
      tpu.enqueue_dma source(%dma_start3A_64 : memref<640xf32, #tpu.memory_space<hbm>>) target(%dma_start3A : memref<640xf32, #tpu.memory_space<vmem_shared>>) target_semaphore(%run_scoped3A_63 : memref<!tpu.dma_semaphore, #tpu.memory_space<semaphore_mem>>)
      %dma_wait3A = tpu.memref_slice %arg7[%mul3A_50] : memref<10240xf32, #tpu.memory_space<vmem_shared>> -> memref<640xf32, #tpu.memory_space<vmem_shared>>
      %dma_wait3A_65 = tpu.memref_slice %arg3[%mul3A_48] : memref<10240xf32, #tpu.memory_space<hbm>> -> memref<640xf32, #tpu.memory_space<hbm>>
      tpu.wait_dma2 semaphore(%run_scoped3A_63 : memref<!tpu.dma_semaphore, #tpu.memory_space<semaphore_mem>>) src(%dma_wait3A_65 : memref<640xf32, #tpu.memory_space<hbm>>) dst(%dma_wait3A : memref<640xf32, #tpu.memory_space<vmem_shared>>)
      tpu.yield
    }) : () -> ()
    %mul3A_51 = arith.constant 80 : i32
    %mul3A_52 = arith.muli %add3A, %mul3A_51 : i32
    %run_scoped3A = arith.constant 0 : i32
    "tpu.region"() ({
      %run_scoped3A_63 = tpu.sem_alloc : memref<!tpu.dma_semaphore, #tpu.memory_space<semaphore_mem>>
      %dma_start3A = arith.constant 0 : i32
      %dma_start3A_64 = tpu.memref_slice %arg2[%run_scoped3A, %mul3A_52, %dma_start3A] : memref<2x2560x128xi32, #tpu.memory_space<hbm>> -> memref<1x80x128xi32, #tpu.memory_space<hbm>>
      %dma_start3A_65 = tpu.memref_squeeze %dma_start3A_64 : memref<1x80x128xi32, #tpu.memory_space<hbm>> -> memref<80x128xi32, #tpu.memory_space<hbm>>
      %dma_start3A_66 = arith.constant 0 : i32
      %dma_start3A_67 = tpu.memref_slice %arg2[%run_scoped3A, %mul3A_52, %dma_start3A_66] : memref<2x2560x128xi32, #tpu.memory_space<hbm>> -> memref<1x80x128xi32, #tpu.memory_space<hbm>>
      %dma_start3A_68 = tpu.memref_squeeze %dma_start3A_67 : memref<1x80x128xi32, #tpu.memory_space<hbm>> -> memref<80x128xi32, #tpu.memory_space<hbm>>
      tpu.enqueue_dma source(%dma_start3A_68 : memref<80x128xi32, #tpu.memory_space<hbm>>) target(%arg5 : memref<80x128xi32, #tpu.memory_space<vmem>>) target_semaphore(%run_scoped3A_63 : memref<!tpu.dma_semaphore, #tpu.memory_space<semaphore_mem>>)
      %dma_wait3A = arith.constant 0 : i32
      %dma_wait3A_69 = tpu.memref_slice %arg2[%run_scoped3A, %mul3A_52, %dma_wait3A] : memref<2x2560x128xi32, #tpu.memory_space<hbm>> -> memref<1x80x128xi32, #tpu.memory_space<hbm>>
      %dma_wait3A_70 = tpu.memref_squeeze %dma_wait3A_69 : memref<1x80x128xi32, #tpu.memory_space<hbm>> -> memref<80x128xi32, #tpu.memory_space<hbm>>
      %dma_wait3A_71 = arith.constant 0 : i32
      %dma_wait3A_72 = tpu.memref_slice %arg2[%run_scoped3A, %mul3A_52, %dma_wait3A_71] : memref<2x2560x128xi32, #tpu.memory_space<hbm>> -> memref<1x80x128xi32, #tpu.memory_space<hbm>>
      %dma_wait3A_73 = tpu.memref_squeeze %dma_wait3A_72 : memref<1x80x128xi32, #tpu.memory_space<hbm>> -> memref<80x128xi32, #tpu.memory_space<hbm>>
      tpu.wait_dma2 semaphore(%run_scoped3A_63 : memref<!tpu.dma_semaphore, #tpu.memory_space<semaphore_mem>>) src(%dma_wait3A_73 : memref<80x128xi32, #tpu.memory_space<hbm>>) dst(%arg5 : memref<80x128xi32, #tpu.memory_space<vmem>>)
      tpu.yield
    }) : () -> ()
    %barrier3A = arith.constant 0 : index
    tpu.barrier barrier_id(%barrier3A)
    %scan3A = arith.constant 0 : i32
    %scan3A_53 = arith.constant 0 : i32
    %scan3A_54 = arith.constant 80 : i32
    %scan3A_55 = arith.addi %scan3A_53, %scan3A_54 : i32
    %scan3A_56 = arith.constant 1 : i32
    scf.for %scan3A_63 = %scan3A_53 to %scan3A_55 step %scan3A_56  : i32 {
      "tpu.region"() ({
        %run_scoped3A_64 = tpu.sem_alloc : memref<!tpu.dma_semaphore, #tpu.memory_space<semaphore_mem>>
        %dma_start3A = arith.constant 0 : i32
        %dma_start3A_65 = tpu.memref_slice %arg5[%scan3A_63, %dma_start3A] : memref<80x128xi32, #tpu.memory_space<vmem>> -> memref<1x128xi32, #tpu.memory_space<vmem>>
        %dma_start3A_66 = tpu.memref_squeeze %dma_start3A_65 : memref<1x128xi32, #tpu.memory_space<vmem>> -> memref<128xi32, #tpu.memory_space<vmem>>
        %dma_start3A_67 = arith.constant 0 : i32
        %dma_start3A_68 = tpu.memref_slice %arg7[%dma_start3A_67] : memref<10240xf32, #tpu.memory_space<vmem_shared>> -> memref<10240xf32, #tpu.memory_space<vmem_shared>>
        tpu.enqueue_indirect_dma source(%arg6 : memref<128xf32, #tpu.memory_space<vmem>>) target(%dma_start3A_68 : memref<10240xf32, #tpu.memory_space<vmem_shared>>) offsets(%dma_start3A_66 : memref<128xi32, #tpu.memory_space<vmem>>) semaphore(%run_scoped3A_64 : memref<!tpu.dma_semaphore, #tpu.memory_space<semaphore_mem>>) {add = true}
        %dma_wait3A = arith.constant 0 : i32
        %dma_wait3A_69 = tpu.memref_slice %arg5[%scan3A_63, %dma_wait3A] : memref<80x128xi32, #tpu.memory_space<vmem>> -> memref<1x128xi32, #tpu.memory_space<vmem>>
        %dma_wait3A_70 = tpu.memref_squeeze %dma_wait3A_69 : memref<1x128xi32, #tpu.memory_space<vmem>> -> memref<128xi32, #tpu.memory_space<vmem>>
        %dma_wait3A_71 = arith.constant 0 : i32
        %dma_wait3A_72 = tpu.memref_slice %arg7[%dma_wait3A_71] : memref<10240xf32, #tpu.memory_space<vmem_shared>> -> memref<10240xf32, #tpu.memory_space<vmem_shared>>
        tpu.wait_indirect_dma semaphore(%run_scoped3A_64 : memref<!tpu.dma_semaphore, #tpu.memory_space<semaphore_mem>>) src(%arg6 : memref<128xf32, #tpu.memory_space<vmem>>) dst(%dma_wait3A_72 : memref<10240xf32, #tpu.memory_space<vmem_shared>>)
        tpu.yield
      }) : () -> ()
    }
    %scan3A_57 = arith.constant 80 : i32
    %barrier3A_58 = arith.constant 0 : index
    tpu.barrier barrier_id(%barrier3A_58)
    %mul3A_59 = arith.constant 640 : i32
    %mul3A_60 = arith.muli %arg1, %mul3A_59 : i32
    %mul3A_61 = arith.constant 640 : i32
    %mul3A_62 = arith.muli %arg1, %mul3A_61 : i32
    "tpu.region"() ({
      %run_scoped3A_63 = tpu.sem_alloc : memref<!tpu.dma_semaphore, #tpu.memory_space<semaphore_mem>>
      %dma_start3A = tpu.memref_slice %arg4[%arg0, %mul3A_62] : memref<2x10240xf32, #tpu.memory_space<hbm>> -> memref<1x640xf32, #tpu.memory_space<hbm>>
      %dma_start3A_64 = tpu.memref_squeeze %dma_start3A : memref<1x640xf32, #tpu.memory_space<hbm>> -> memref<640xf32, #tpu.memory_space<hbm>>
      %dma_start3A_65 = tpu.memref_slice %arg7[%mul3A_60] : memref<10240xf32, #tpu.memory_space<vmem_shared>> -> memref<640xf32, #tpu.memory_space<vmem_shared>>
      tpu.enqueue_dma source(%dma_start3A_65 : memref<640xf32, #tpu.memory_space<vmem_shared>>) target(%dma_start3A_64 : memref<640xf32, #tpu.memory_space<hbm>>) target_semaphore(%run_scoped3A_63 : memref<!tpu.dma_semaphore, #tpu.memory_space<semaphore_mem>>)
      %dma_wait3A = tpu.memref_slice %arg4[%arg0, %mul3A_62] : memref<2x10240xf32, #tpu.memory_space<hbm>> -> memref<1x640xf32, #tpu.memory_space<hbm>>
      %dma_wait3A_66 = tpu.memref_squeeze %dma_wait3A : memref<1x640xf32, #tpu.memory_space<hbm>> -> memref<640xf32, #tpu.memory_space<hbm>>
      %dma_wait3A_67 = tpu.memref_slice %arg7[%mul3A_60] : memref<10240xf32, #tpu.memory_space<vmem_shared>> -> memref<640xf32, #tpu.memory_space<vmem_shared>>
      tpu.wait_dma2 semaphore(%run_scoped3A_63 : memref<!tpu.dma_semaphore, #tpu.memory_space<semaphore_mem>>) src(%dma_wait3A_67 : memref<640xf32, #tpu.memory_space<vmem_shared>>) dst(%dma_wait3A_66 : memref<640xf32, #tpu.memory_space<hbm>>)
      tpu.yield
    }) : () -> ()
    return
  }
}

module attributes {stable_mosaic.version = 14 : i64} {
  func.func @_mm_body(%arg0: i32, %arg1: memref<512x128xf32, #tpu.memory_space<vmem>>, %arg2: memref<2x512xf32, #tpu.memory_space<vmem>>, %arg3: memref<128x64xf32, #tpu.memory_space<vmem>>, %arg4: memref<128x64xf32, #tpu.memory_space<vmem>>, %arg5: memref<512x128xf32, #tpu.memory_space<vmem>>) attributes {dimension_semantics = [#tpu.dimension_semantics<arbitrary>], iteration_bounds = array<i64: 20>, scalar_prefetch = 0 : i64, scratch_operands = 0 : i64, tpu.core_type = #tpu.core_type<tc>, window_params = [{transform_indices = @transform_0, window_bounds = array<i64: 512, 128>}, {transform_indices = @transform_1, window_bounds = array<i64: 2, 512>}, {pipeline_mode = #tpu.pipeline_mode<synchronous>, transform_indices = @transform_2, window_bounds = array<i64: 128, 64>}, {pipeline_mode = #tpu.pipeline_mode<synchronous>, transform_indices = @transform_3, window_bounds = array<i64: 128, 64>}, {transform_indices = @transform_4, window_bounds = array<i64: 512, 128>}]} {
    %get3A = arith.constant 0 : index
    %get3A_0 = arith.constant 0 : index
    %get3A_1 = vector.load %arg2[%get3A, %get3A_0] : memref<2x512xf32, #tpu.memory_space<vmem>>, vector<1x512xf32>
    %get3A_2 = vector.shape_cast %get3A_1 : vector<1x512xf32> to vector<512xf32>
    %get3A_3 = arith.constant 1 : index
    %get3A_4 = arith.constant 0 : index
    %get3A_5 = vector.load %arg2[%get3A_3, %get3A_4] : memref<2x512xf32, #tpu.memory_space<vmem>>, vector<1x512xf32>
    %get3A_6 = vector.shape_cast %get3A_5 : vector<1x512xf32> to vector<512xf32>
    %add3A = arith.addf %get3A_2, %get3A_6 : vector<512xf32>
    %max3A = arith.constant 1.000000e+00 : f32
    %max3A_7 = vector.broadcast %max3A : f32 to vector<512xf32>
    %max3A_8 = arith.maximumf %add3A, %max3A_7 : vector<512xf32>
    %rsqrt3A = math.rsqrt %max3A_8 : vector<512xf32>
    %get3A_9 = arith.constant 0 : index
    %get3A_10 = arith.constant 0 : index
    %get3A_11 = vector.load %arg1[%get3A_9, %get3A_10] : memref<512x128xf32, #tpu.memory_space<vmem>>, vector<512x128xf32>
    %broadcast_in_dim3A = vector.shape_cast %rsqrt3A : vector<512xf32> to vector<512x1xf32>
    %mul3A = vector.broadcast %broadcast_in_dim3A : vector<512x1xf32> to vector<512x128xf32>
    %mul3A_12 = arith.mulf %get3A_11, %mul3A : vector<512x128xf32>
    %get3A_13 = arith.constant 0 : index
    %get3A_14 = arith.constant 0 : index
    %get3A_15 = vector.load %arg3[%get3A_13, %get3A_14] : memref<128x64xf32, #tpu.memory_space<vmem>>, vector<128x64xf32>
    %get3A_16 = arith.constant 0 : index
    %get3A_17 = arith.constant 0 : index
    %get3A_18 = vector.load %arg4[%get3A_16, %get3A_17] : memref<128x64xf32, #tpu.memory_space<vmem>>, vector<128x64xf32>
    %add3A_19 = arith.addf %get3A_15, %get3A_18 : vector<128x64xf32>
    %broadcast_in_dim3A_20 = arith.constant 0.000000e+00 : f32
    %broadcast_in_dim3A_21 = vector.broadcast %broadcast_in_dim3A_20 : f32 to vector<128x64xf32>
    %concatenate3A = tpu.concatenate %add3A_19, %broadcast_in_dim3A_21 in 1 : vector<128x64xf32>, vector<128x64xf32> -> vector<128x128xf32>
    %dot_general3A = arith.constant dense<0.000000e+00> : vector<512x128xf32>
    %dot_general3A_22 = tpu.matmul %mul3A_12, %concatenate3A, %dot_general3A {dimension_numbers = #tpu.dot_dimension_numbers<[1], [0], [0], [1], [0, 0, 1, 1], [], []>, transpose_lhs_hint = false} : vector<512x128xf32>, vector<128x128xf32>, vector<512x128xf32> -> vector<512x128xf32>
    %swap3A = arith.constant 0 : index
    %swap3A_23 = arith.constant 0 : index
    %swap3A_24 = vector.load %arg5[%swap3A, %swap3A_23] : memref<512x128xf32, #tpu.memory_space<vmem>>, vector<512x128xf32>
    tpu.vector_store %arg5[%swap3A, %swap3A_23], %dot_general3A_22 {strides = array<i32>} : memref<512x128xf32, #tpu.memory_space<vmem>>, vector<512x128xf32>,
    return
  }
  func.func @transform_0(%arg0: i32) -> (i32, i32) {
    %c0_i32 = arith.constant 0 : i32
    %c0_i32_0 = arith.constant 0 : i32
    return %arg0, %c0_i32 : i32, i32
  }
  func.func @transform_1(%arg0: i32) -> (i32, i32) {
    %c0_i32 = arith.constant 0 : i32
    %c0_i32_0 = arith.constant 0 : i32
    return %c0_i32, %arg0 : i32, i32
  }
  func.func @transform_2(%arg0: i32) -> (i32, i32) {
    %c0_i32 = arith.constant 0 : i32
    %c0_i32_0 = arith.constant 0 : i32
    %c0_i32_1 = arith.constant 0 : i32
    return %c0_i32, %c0_i32_0 : i32, i32
  }
  func.func @transform_3(%arg0: i32) -> (i32, i32) {
    %c0_i32 = arith.constant 0 : i32
    %c0_i32_0 = arith.constant 0 : i32
    %c0_i32_1 = arith.constant 0 : i32
    return %c0_i32, %c0_i32_0 : i32, i32
  }
  func.func @transform_4(%arg0: i32) -> (i32, i32) {
    %c0_i32 = arith.constant 0 : i32
    %c0_i32_0 = arith.constant 0 : i32
    return %arg0, %c0_i32 : i32, i32
  }
}

module attributes {stable_mosaic.version = 14 : i64} {
  func.func @_fin_body(%arg0: i32, %arg1: memref<512x128xf32, #tpu.memory_space<vmem>>, %arg2: memref<512xf32, #tpu.memory_space<vmem>>, %arg3: memref<512x64xf32, #tpu.memory_space<vmem>>) attributes {dimension_semantics = [#tpu.dimension_semantics<arbitrary>], iteration_bounds = array<i64: 20>, scalar_prefetch = 0 : i64, scratch_operands = 0 : i64, tpu.core_type = #tpu.core_type<tc>, window_params = [{transform_indices = @transform_0, window_bounds = array<i64: 512, 128>}, {transform_indices = @transform_1, window_bounds = array<i64: 512>}, {transform_indices = @transform_2, window_bounds = array<i64: 512, 64>}]} {
    %get3A = arith.constant 0 : index
    %get3A_0 = arith.constant 0 : index
    %get3A_1 = vector.load %arg1[%get3A, %get3A_0] : memref<512x128xf32, #tpu.memory_space<vmem>>, vector<512x64xf32>
    %get3A_2 = arith.constant 0 : index
    %get3A_3 = vector.load %arg2[%get3A_2] : memref<512xf32, #tpu.memory_space<vmem>>, vector<512xf32>
    %max3A = arith.constant 1.000000e+00 : f32
    %max3A_4 = vector.broadcast %max3A : f32 to vector<512xf32>
    %max3A_5 = arith.maximumf %get3A_3, %max3A_4 : vector<512xf32>
    %rsqrt3A = math.rsqrt %max3A_5 : vector<512xf32>
    %broadcast_in_dim3A = vector.shape_cast %rsqrt3A : vector<512xf32> to vector<512x1xf32>
    %mul3A = vector.broadcast %broadcast_in_dim3A : vector<512x1xf32> to vector<512x64xf32>
    %mul3A_6 = arith.mulf %get3A_1, %mul3A : vector<512x64xf32>
    %tanh3A = math.tanh %mul3A_6 : vector<512x64xf32>
    %swap3A = arith.constant 0 : index
    %swap3A_7 = arith.constant 0 : index
    %swap3A_8 = vector.load %arg3[%swap3A, %swap3A_7] : memref<512x64xf32, #tpu.memory_space<vmem>>, vector<512x64xf32>
    tpu.vector_store %arg3[%swap3A, %swap3A_7], %tanh3A {strides = array<i32>} : memref<512x64xf32, #tpu.memory_space<vmem>>, vector<512x64xf32>,
    return
  }
  func.func @transform_0(%arg0: i32) -> (i32, i32) {
    %c0_i32 = arith.constant 0 : i32
    %c0_i32_0 = arith.constant 0 : i32
    return %arg0, %c0_i32 : i32, i32
  }
  func.func @transform_1(%arg0: i32) -> i32 {
    %c0_i32 = arith.constant 0 : i32
    return %arg0 : i32
  }
  func.func @transform_2(%arg0: i32) -> (i32, i32) {
    %c0_i32 = arith.constant 0 : i32
    %c0_i32_0 = arith.constant 0 : i32
    return %arg0, %c0_i32 : i32, i32
  }
}

</mosaic_0001>

<sc_bundles>
// kernel: kernel.6.cloned.1.call-start
scs
__scs_entry_jumppad:
0x0: {  	(pc) =	sbr.rel $0x88, $3  }
0x1: {  	(tag) =	ssettag $0x0;
	lr =	simm.s32 $0x1  }
0x2: {  	[smem:$0x3F9D] =	sst lr;
	_ =	strace $0xD0000000  }
0x3: {  	_ = 	snop  }
0x4: {  	_ = 	snop  }
0x5: {  	_ = 	snop  }
0x6: {  	_ = 	snop  }
0x7: {  	_ = 	snop  }
__scs_overlays_trampoline_lowered:
0x8: {  	[smem:$0x3FAC] =	sst s0  }
0x9: {  	[smem:$0x3FAD] =	sst s1  }
0xa: {  	[smem:$0x3FAE] =	sst s2  }
0xb: {  	[smem:$0x3FAF] =	sst s3  }
0xc: {  	[smem:$0x3FB0] =	sst s4  }
0xd: {  	[smem:$0x3FB1] =	sst s5  }
0xe: {  	[smem:$0x3FB2] =	sst s6  }
0xf: {  	[smem:$0x3FB3] =	sst s7  }
0x10: {  	[smem:$0x3FB4] =	sst s8  }
0x11: {  	[smem:$0x3FB5] =	sst s9;
	s0 =	simm.s32 @!p0 $0x0  }
0x12: {  	s1 =	sld [smem:$0x3F9B];
	s0 =	simm.s32 @p0 $0x1  }
0x13: {  	[smem:$0x3FB6] =	sst s0;
	s0 =	simm.s32 @!p1 $0x0  }
0x14: {  	s2 =	sld [smem:$0x3F9A];
	s0 =	simm.s32 @p1 $0x1  }
0x15: {  	[smem:$0x3FB7] =	sst s0;
	s0 =	simm.s32 @!p2 $0x0  }
0x16: {  	s3 =	sld [smem:$0x3FDB];
	s0 =	simm.s32 @p2 $0x1  }
0x17: {  	s4 =	simm.s32 $0x1BF5;
	[smem:$0x3FB9] =	sst s0  }
0x18: {  	s0 =	sld [smem:$0x3F9C];
	_ =	swait.ge [sflag:s4], $0x0  }
0x19: {  	s7 =	sld [smem:$0x3F9D]  }
0x1a: {  	s8 =	sadd.s32 $0xFFFFE003, lr  }
0x1b: {  	s9 =	sadd.s32 $0xFFFFFEF7, lr;
	s5 =	simm.s32 $0xFFFFFFFF;
	p2 =	slt.u32 s8, $0xFFFFF086  }
0x1c: {  	p1 =	slt.u32 s9, $0xF7A;
	s5 =	simm.s32 @!p2 $0x0  }
0x1d: {  	s5 =	simm.s32 @p1 $0x1;
	p0 =	seq.s32 s7, s2  }
0x1e: {  	s7 =	smul.u32 @!p0 $0xF7A, s2;
	p2 =	seq.s32 @!p0 s5, $0x0  }
0x1f: {  	s9 =	smul.u32 $0xF7A, s1;
	s8 =	simm.s32 @!p0 $0x1BF5;
	p2 =	por !p2, p0  }
0x20: {  	[sflag:s8] =	ssyncset.s32 @!p0 $0xFFFFF086;
	s6 =	sadd.s32 @!p0 s3, s7;
	s7 =	simm.s32 @!p0 $0x108  }
0x21: {  	s3 =	sadd.s32 s3, s9;
	s6 =	sadd.s32 @!p0 $0x88, s6;
	s7 =	simm.s32 @p2 $0x1082  }
0x22: {  	[simem:s7], [sflag:s8] =	dma.local @!p0 [hbm:s6], $0xF7A  }
0x23: {  	s9 =	sor.u32 $0xD0000000, s2;
	s6 =	simm.s32 $0x108;
	_ =	swait.ge @!p0 [sflag:s8], $0x0  }
0x24: {  	s3 =	sadd.s32 $0x88, s3;
	s6 =	simm.s32 @!p1 $0x1082;
	[sflag:s4] =	ssyncset.s32 $0xFFFFF086  }
0x25: {  	[simem:s6], [sflag:s4] =	dma.local [hbm:s3], $0xF7A  }
0x26: {  	[smem:$0x3F9D] =	sst s1;
	(tag) =	ssettag s2;
	_ =	strace s9  }
0x27: {  	s1 =	sld [smem:$0x3FAD]  }
0x28: {  	s2 =	sld [smem:$0x3FAE]  }
0x29: {  	s4 =	sld [smem:$0x3FB0]  }
0x2a: {  	p0 =	seq.s32 s5, $0x0;
	s5 =	sld [smem:$0x3FB1]  }
0x2b: {  	s6 =	sld [smem:$0x3FB2]  }
0x2c: {  	s7 =	sld [smem:$0x3FB3]  }
0x2d: {  	s3 =	simm.s32 $0x108;
	s8 =	sld [smem:$0x3FB4]  }
0x2e: {  	s3 =	simm.s32 @!p0 $0x1082;
	s9 =	sld [smem:$0x3FB5]  }
0x2f: {  	lr =	sadd.s32 s0, s3;
	s0 =	sld [smem:$0x3FAC]  }
0x30: {  	s3 =	sld [smem:$0x3FAF]  }
0x31: {  	[smem:$0x3FB8] =	sst s10  }
0x32: {  	s10 =	sld [smem:$0x3FB6];
	_ =	sdelay $0x3  }
0x33: {  	p0 =	seq.s32 s10, $0x1;
	s10 =	sld [smem:$0x3FB8];
	_ =	sdelay $0x3  }
0x34: {  	[smem:$0x3FB8] =	sst s10  }
0x35: {  	s10 =	sld [smem:$0x3FB7];
	_ =	sdelay $0x3  }
0x36: {  	p1 =	seq.s32 s10, $0x1;
	s10 =	sld [smem:$0x3FB8];
	_ =	sdelay $0x3  }
0x37: {  	[smem:$0x3FB8] =	sst s10  }
0x38: {  	s10 =	sld [smem:$0x3FB9]  }
0x39: {  	_ = 	snop;
	(pc) =	sbr.ind lr, $3  }
0x3a: {  	_ = 	snop  }
0x3b: {  	_ = 	snop  }
0x3c: {  	p2 =	seq.s32 s10, $0x1;
	s10 =	sld [smem:$0x3FB8]  }
0x3d: {  	_ =	shalt  }
0x3e: {  	_ =	shalt  }
0x3f: {  	_ =	shalt  }
0x40: {  	_ =	shalt  }
0x41: {  	_ =	shalt  }
0x42: {  	_ =	shalt  }
0x43: {  	_ =	shalt  }
0x44: {  	_ =	shalt  }
0x45: {  	_ =	shalt  }
0x46: {  	_ =	shalt  }
0x47: {  	_ =	shalt  }
0x48: {  	_ =	shalt  }
0x49: {  	_ =	shalt  }
0x4a: {  	_ =	shalt  }
0x4b: {  	_ =	shalt  }
0x4c: {  	_ =	shalt  }
0x4d: {  	_ =	shalt  }
0x4e: {  	_ =	shalt  }
0x4f: {  	_ =	shalt  }
0x50: {  	_ =	shalt  }
0x51: {  	_ =	shalt  }
0x52: {  	_ =	shalt  }
0x53: {  	_ =	shalt  }
0x54: {  	_ =	shalt  }
0x55: {  	_ =	shalt  }
0x56: {  	_ =	shalt  }
0x57: {  	_ =	shalt  }
0x58: {  	_ =	shalt  }
0x59: {  	_ =	shalt  }
0x5a: {  	_ =	shalt  }
0x5b: {  	_ =	shalt  }
0x5c: {  	_ =	shalt  }
0x5d: {  	_ =	shalt  }
0x5e: {  	_ =	shalt  }
0x5f: {  	_ =	shalt  }
0x60: {  	_ =	shalt  }
0x61: {  	_ =	shalt  }
0x62: {  	_ =	shalt  }
0x63: {  	_ =	shalt  }
0x64: {  	_ =	shalt  }
0x65: {  	_ =	shalt  }
0x66: {  	_ =	shalt  }
0x67: {  	_ =	shalt  }
0x68: {  	_ =	shalt  }
0x69: {  	_ =	shalt  }
0x6a: {  	_ =	shalt  }
0x6b: {  	_ =	shalt  }
0x6c: {  	_ =	shalt  }
0x6d: {  	_ =	shalt  }
0x6e: {  	_ =	shalt  }
0x6f: {  	_ =	shalt  }
0x70: {  	_ =	shalt  }
0x71: {  	_ =	shalt  }
0x72: {  	_ =	shalt  }
0x73: {  	_ =	shalt  }
0x74: {  	_ =	shalt  }
0x75: {  	_ =	shalt  }
0x76: {  	_ =	shalt  }
0x77: {  	_ =	shalt  }
0x78: {  	_ =	shalt  }
0x79: {  	_ =	shalt  }
0x7a: {  	_ =	shalt  }
0x7b: {  	_ =	shalt  }
0x7c: {  	_ =	shalt  }
0x7d: {  	_ =	shalt  }
0x7e: {  	_ =	shalt  }
0x7f: {  	_ =	shalt  }
0x80: {  	_ =	shalt  }
0x81: {  	_ =	shalt  }
0x82: {  	_ =	shalt  }
0x83: {  	_ =	shalt  }
0x84: {  	_ =	shalt  }
0x85: {  	_ =	shalt  }
0x86: {  	_ =	shalt  }
0x87: {  	_ =	shalt  }
.Lfunc_end0:
.L_simem_size_0:
called_computation_lowered:
.L_overlay_start_0:
0x88: {  	s2 =	sld [smem:$0x3FD9]  }
0x89: {  	s3 =	sld [smem:$0x3FFE];
	_ =	sdelay $0x1  }
0x8a: {  	s1 =	srdreg.scid  }
0x8b: {  	s0 =	sand.u32 $0x1, s1  }
0x8c: {  	s17 =	sshll.u32 s0, $0xA;
	s2 =	sadd.s32 s3, s2  }
0x8d: {  	s2 =	sadd.s32 s2, s17  }
0x8e: {  	[smem:$0x3FC4] =	sst s2  }
0x8f: {  	_ = 	snop  }
0x90: {  	s2 =	sld [smem:$0x3FD0];
	(tm) =	ssettm $0x1  }
0x91: {  	s18 =	sld [smem:$0x3FFB];
	_ =	sdelay $0x3  }
0x92: {  	_ =	strace s18  }
0x93: {  	s3 =	sld [smem:$0x3FFC];
	_ =	sdelay $0x3  }
0x94: {  	_ =	strace s3  }
0x95: {  	s3 =	sld [smem:$0x3FFD];
	_ =	sdelay $0x3  }
0x96: {  	_ =	strace s3  }
0x97: {  	_ =	strace $0x8FFFFFFF  }
0x98: {  	s19 =	sld [smem:$0x3FDB];
	_ =	sdelay $0x1  }
0x99: {  	s4 =	simm.s32 $_scs_section_size  }
0x9a: {  	s5 =	simm.s32 $_size__tile_overlayer_lowered;
	s6 =	simm.s32 $_tile_overlayer_lowered  }
0x9b: {  	s22 =	simm.s32 $0x1BFF;
	s21 =	sshll.u32 s6, $0x1;
	s3 =	sadd.s32 s4, s19  }
0x9c: {  	s7 =	simm.s32 $0x0;
	s20 =	sshll.u32 s5, $0x1;
	s5 =	sadd.s32 s21, s3  }
0x9d: {  	[timem:s7], [sflag:s22] =	dma.local [hbm:s5], s20  }
0x9e: {  	_ =	swait.ge [sflag:s22], s20  }
0x9f: {  	s4 =	ssub.s32 $0x0, s20;
	[sflag:s22] =	ssyncset.done $0x0  }
0xa0: {  	[sflag:s22] =	ssyncadd.s32 s4;
	_ =	sdelay $0x1  }
0xa1: {  	s23 =	simm.s32 $0x1B8B  }
0xa2: {  	_ =	swait.ge [sflag:s23], $0x1  }
0xa3: {  	[sflag:s23] =	ssyncset.done $0x0  }
0xa4: {  	s25 =	simm.s32 $0x1B8E;
	s24 =	sld [smem:$0x3FFE];
	[sflag:s23] =	ssyncadd.s32 $0xFFFFFFFF  }
0xa5: {  	s26 =	simm.s32 $execute0_lowered;
	[smem:$0x3FD2] =	sst s25  }
0xa6: {  	s5 =	sshll.u32 s26, $0x1;
	_ =	strace $0x80000046;
	[dreg:$0x1] =	wrdreg $0xFFFFFFFF  }
0xa7: {  	s28 =	simm.s32 $_size_execute0_lowered;
	s3 =	sadd.s32 s3, s5;
	[dreg:$0x0] =	wrdreg $0x0  }
0xa8: {  	s5 =	sshll.u32 s28, $0x1;
	[dreg:$0x2] =	wrdreg s3  }
0xa9: {  	[dreg:$0x3] =	wrdreg s5  }
0xaa: {  	[dreg:$0x4] =	wrdreg $0xC0  }
0xab: {  	_ =	task [dreg:s7], $0x5FFFF  }
0xac: {  	[dreg:$0x1] =	wrdreg $0xFFFFFFFF  }
0xad: {  	[dreg:$0x0] =	wrdreg $0x60  }
0xae: {  	[dreg:$0x2] =	wrdreg s24  }
0xaf: {  	[dreg:$0x3] =	wrdreg s2  }
0xb0: {  	[dreg:$0x4] =	wrdreg $0x28800  }
0xb1: {  	[dreg:$0x5] =	wrdreg $0x9  }
0xb2: {  	_ =	task.clear_ibuf [dreg:s7], $0x6FFFF;
	_ =	strace $0x90000046  }
0xb3: {  	s29 =	simm.s32 $0x9;
	_ =	strace $0x80000048  }
0xb4: {  	_ =	swait.ge [sflag:s29], $0x1  }
0xb5: {  	[sflag:s29] =	ssyncadd.s32 $0xFFFFFFFF  }
0xb6: {  	_ =	strace $0x90000048  }
0xb7: {  	_ =	sfence  }
0xb8: {  	s30 =	sld [smem:$0x0];
	_ =	sdelay $0x2  }
0xb9: {  	s31 =	sshll.u32 s1, $0xD;
	s1 =	sshrl.u32 s1, $0x2  }
0xba: {  	s3 =	sand.u32 $0x4000, s31;
	s1 =	sadd.s32 s1, s30  }
0xbb: {  	s0 =	sor.u32 s3, s0;
	s1 =	sshll.u32 s1, $0x11  }
0xbc: {  	s0 =	sor.u32 s1, s0  }
0xbd: {  	s0 =	sadd.s32 $0x8F2B, s0  }
0xbe: {  	[sflag:s0] =	ssyncadd.remote.s32 $0x1  }
0xbf: {  	_ =	sfence.sel $0xFFFF  }
0xc0: {  	[dreg:$0x0] =	wrdreg $0xFFFFFFFF;
	(pc) =	sbr.abs _section_cstart, $3  }
0xc1: {  	[dreg:$0x1] =	wrdreg $0xFFFFFFFF  }
0xc2: {  	_ =	task.clear_ibuf [dreg:s7], $0x2FFFF;
	_ =	strace $0x9FFFFFFF  }
0xc3: {  	(tm) =	ssettm $0x7FFFFFFF  }
tec
execute0_lowered:
.L_overlay_start_1:
0x0: {  	(tag) =	ssettag $0x1  }
0x1: {  	s4 =	rddreg [dreg:$0x0]  }
0x2: {  	s1 =	srdreg.scid;
	s7 =	rddreg [dreg:$0x1]  }
0x3: {  	s0 =	stileid.u32;
	s2 =	rddreg [dreg:$0x2]  }
0x4: {  	s3 =	simm.s32 $0x0;
	s12 =	simm.s32 $0x2800;
	s13 =	simm.s32 $0x20  }
0x5: {  	s14 =	simm.s32 $0x10;
	s15 =	simm.s32 $0x0;
	s5 =	sand.u32 $0x1, s1  }
0x6: {  	s26 =	sshll.u32 s0, $0x1;
	s1 =	rddreg [dreg:$0x3];
	s8 =	smul.u32 $0x280, s0  }
0x7: {  	[smem:$0x7FF] =	sst s3;
	s11 =	smul.u32 $0x500, s0;
	s30 =	sshll.u32 s0, $0x6  }
0x8: {  	s6 =	sor.u32 s5, s26;
	_ =	strace $0x80000047;
	s10 =	ssub.s32 $0x2, s5  }
0x9: {  	s5 =	sshll.u32 s5, $0x7;
	s6 =	smul.u32 $0x500, s6;
	s9 =	sshrl.u32 s8, $0x3  }
0xa: {  	s28 =	sshrl.u32 s10, $0x1;
	s29 =	sadd.s32 s8, s2;
	s11 =	sor.u32 s5, s11  }
0xb: {  	s5 =	sor.u32 $0x1C01, s30;
	s31 =	sshrl.u32 s11, $0x3;
	s11 =	simm.s32 $0x80  }
0xc: {  	s6 =	sadd.s32 s6, s4;
	s4 =	sadd.s32 s9, s4;
	s9 =	ssub.s32 s10, s28  }
0xd: {  	s7 =	sadd.s32 s7, s31;
	s10 =	simm.s32 $0x1;
	s4 =	sadd.s32 $0x16000, s4  }
0xe: {  	v0 =	vimm.f32 $1.000000000e+00;
	s6 =	sadd.s32 $0x2000, s6;
	s8 =	smax.u32 s9, $0x1;
	s9 =	sshrl.u32 s29, $0x3  }
.LBB2_1:
0xf: {  	[tilespmem:$0x2800] =	vst v0  }
0x10: {  	[tilespmem:$0x2810] =	vst v0  }
0x11: {  	[tilespmem:$0x2820] =	vst v0  }
0x12: {  	[tilespmem:$0x2830] =	vst v0  }
0x13: {  	[tilespmem:$0x2840] =	vst v0  }
0x14: {  	[tilespmem:$0x2850] =	vst v0  }
0x15: {  	[tilespmem:$0x2860] =	vst v0  }
0x16: {  	[tilespmem:$0x2870] =	vst v0  }
0x17: {  	[spmem:s9], [sflag:s5] =	dma.local [hbm:s4], $0x50  }
0x18: {  	_ =	swait.ge [sflag:s10], $0x50  }
0x19: {  	[sflag:s10] =	ssyncset.done $0x0  }
0x1a: {  	[sflag:s10] =	ssyncadd.s32 $0xFFFFFFB0  }
0x1b: {  	[tilespmem:s3], [sflag:$0x1] =	stream.linear.gather [hbm4b:s6+s3], $0x2800, $0x38;
	[tilespmem:$0x2B00] =	vst v63  }
0x1c: {  	_ =	swait.ge [sflag:s10], $0x2800  }
0x1d: {  	[sflag:s10] =	ssyncset.done $0x0  }
0x1e: {  	[sflag:s10] =	ssyncadd.s32 $0xFFFFD800  }
0x1f: {  	s16 =	simm.s32 $0x0;
	[bflag:$0x0] =	sbarrier.arrive $0xFFFF  }
0x20: {  	[spmem:s2] =	stream.indirect.scatter.add.f32 [tilespmem:s12], [sflag:$0x1], $0x1, s16, s11, $0xb8;
	[tilespmem:$0x2B00] =	vst v63  }
0x21: {  	_ =	swait.ge [sflag:s10], $0x80  }
0x22: {  	s16 =	simm.s32 $0x200;
	[sflag:s10] =	ssyncset.done $0x0  }
.LBB2_2:
0x23: {  	s17 =	sshra.s32 s16, $0x2;
	[sflag:s10] =	ssyncadd.s32 $0xFFFFFF80;
	p0 =	sne.s32 s16, $0x9E00  }
0x24: {  	[spmem:s2] =	stream.indirect.scatter.add.f32 [tilespmem:s12], [sflag:$0x1], $0x1, s17, s11, $0xb8;
	[tilespmem:$0x2B00] =	vst v63  }
.Ltmp0:
0x25: {  	_ = 	snop;
	(pc) =	sbr.rel @p0 .LBB2_2-.Ltmp0, $4  }
0x26: {  	_ = 	snop  }
0x27: {  	s16 =	sadd.s32 $0x200, s16  }
0x28: {  	_ =	swait.ge [sflag:s10], $0x80  }
0x29: {  	[sflag:s10] =	ssyncset.done $0x0  }
0x2a: {  	s15 =	sadd.s32 $0x1, s15  }
0x2b: {  	[sflag:s10] =	ssyncadd.s32 $0xFFFFFF80;
	p0 =	sne.s32 s15, s8  }
.Ltmp1:
0x2c: {  	[bflag:$0x0] =	sbarrier.arrive $0xFFFF;
	(pc) =	sbr.rel @p0 .LBB2_1-.Ltmp1, $4  }
0x2d: {  	[hbm:s7@s13], [sflag:s5] =	dma.strided [spmem:s9@s14], $0x50, s10, $0x10   }
0x2e: {  	_ =	swait.ge [sflag:s10], $0x50  }
0x2f: {  	[sflag:s10] =	ssyncset.done $0x0  }
0x30: {  	[sflag:s10] =	ssyncadd.s32 $0xFFFFFFB0  }
0x31: {  	_ =	sfence.sel $0x180000  }
0x32: {  	[bflag:$0x0] =	sbarrier.arrive $0xFFFF  }
0x33: {  	p0 =	sne.s32 s0, $0x0;
	_ =	strace $0x90000047  }
0x34: {  	s0 =	sadd.s32 @!p0 $0x100000, s1;
	[bflag:$0x2] =	sbarrier.arrive $0xFFFF  }
0x35: {  	[sflag:s0] =	ssyncadd.tile.s32 @!p0 $0x1;
	_ =	shalt  }
.Lfunc_end2:
_tile_overlayer_lowered:
.L_overlay_start_2:
0x36: {  	(tag) =	ssettag $0x2  }
0x37: {  	s0 =	rddreg [dreg:$0x0];
	s2 =	stileid.u32  }
0x38: {  	s1 =	rddreg [dreg:$0x1];
	p0 =	sne.s32 s2, $0x0  }
0x39: {  	s3 =	rddreg [dreg:$0x2];
	[bflag:$0x3] =	sbarrier.arrive $0xFFFF;
	s2 =	simm.s32 @!p0 $0x1C01  }
0x3a: {  	[timem:s3], [sflag:s2] =	dma.local @!p0 [hbm:s0], s1  }
0x3b: {  	s0 =	simm.s32 @!p0 $0x1  }
0x3c: {  	_ =	swait.ge @!p0 [sflag:s0], s1  }
0x3d: {  	s1 =	ssub.s32 @!p0 $0x0, s1;
	[sflag:s0] =	ssyncset.done @!p0 $0x0  }
0x3e: {  	[sflag:s0] =	ssyncadd.s32 @!p0 s1  }
0x3f: {  	[bflag:$0x3] =	sbarrier.arrive $0xFFFF  }
0x40: {  	_ =	shalt  }

// kernel: kernel.9.cloned.1.call-start
scs
__scs_entry_jumppad:
0x0: {  	(pc) =	sbr.rel $0x88, $3  }
0x1: {  	(tag) =	ssettag $0x0;
	lr =	simm.s32 $0x1  }
0x2: {  	[smem:$0x3F9D] =	sst lr;
	_ =	strace $0xD0000000  }
0x3: {  	_ = 	snop  }
0x4: {  	_ = 	snop  }
0x5: {  	_ = 	snop  }
0x6: {  	_ = 	snop  }
0x7: {  	_ = 	snop  }
__scs_overlays_trampoline_lowered:
0x8: {  	[smem:$0x3FAC] =	sst s0  }
0x9: {  	[smem:$0x3FAD] =	sst s1  }
0xa: {  	[smem:$0x3FAE] =	sst s2  }
0xb: {  	[smem:$0x3FAF] =	sst s3  }
0xc: {  	[smem:$0x3FB0] =	sst s4  }
0xd: {  	[smem:$0x3FB1] =	sst s5  }
0xe: {  	[smem:$0x3FB2] =	sst s6  }
0xf: {  	[smem:$0x3FB3] =	sst s7  }
0x10: {  	[smem:$0x3FB4] =	sst s8  }
0x11: {  	[smem:$0x3FB5] =	sst s9;
	s0 =	simm.s32 @!p0 $0x0  }
0x12: {  	s1 =	sld [smem:$0x3F9B];
	s0 =	simm.s32 @p0 $0x1  }
0x13: {  	[smem:$0x3FB6] =	sst s0;
	s0 =	simm.s32 @!p1 $0x0  }
0x14: {  	s2 =	sld [smem:$0x3F9A];
	s0 =	simm.s32 @p1 $0x1  }
0x15: {  	[smem:$0x3FB7] =	sst s0;
	s0 =	simm.s32 @!p2 $0x0  }
0x16: {  	s3 =	sld [smem:$0x3FDB];
	s0 =	simm.s32 @p2 $0x1  }
0x17: {  	s4 =	simm.s32 $0x1BF5;
	[smem:$0x3FB9] =	sst s0  }
0x18: {  	s0 =	sld [smem:$0x3F9C];
	_ =	swait.ge [sflag:s4], $0x0  }
0x19: {  	s7 =	sld [smem:$0x3F9D]  }
0x1a: {  	s8 =	sadd.s32 $0xFFFFE003, lr  }
0x1b: {  	s9 =	sadd.s32 $0xFFFFFEF7, lr;
	s5 =	simm.s32 $0xFFFFFFFF;
	p2 =	slt.u32 s8, $0xFFFFF086  }
0x1c: {  	p1 =	slt.u32 s9, $0xF7A;
	s5 =	simm.s32 @!p2 $0x0  }
0x1d: {  	s5 =	simm.s32 @p1 $0x1;
	p0 =	seq.s32 s7, s2  }
0x1e: {  	s7 =	smul.u32 @!p0 $0xF7A, s2;
	p2 =	seq.s32 @!p0 s5, $0x0  }
0x1f: {  	s9 =	smul.u32 $0xF7A, s1;
	s8 =	simm.s32 @!p0 $0x1BF5;
	p2 =	por !p2, p0  }
0x20: {  	[sflag:s8] =	ssyncset.s32 @!p0 $0xFFFFF086;
	s6 =	sadd.s32 @!p0 s3, s7;
	s7 =	simm.s32 @!p0 $0x108  }
0x21: {  	s3 =	sadd.s32 s3, s9;
	s6 =	sadd.s32 @!p0 $0x88, s6;
	s7 =	simm.s32 @p2 $0x1082  }
0x22: {  	[simem:s7], [sflag:s8] =	dma.local @!p0 [hbm:s6], $0xF7A  }
0x23: {  	s9 =	sor.u32 $0xD0000000, s2;
	s6 =	simm.s32 $0x108;
	_ =	swait.ge @!p0 [sflag:s8], $0x0  }
0x24: {  	s3 =	sadd.s32 $0x88, s3;
	s6 =	simm.s32 @!p1 $0x1082;
	[sflag:s4] =	ssyncset.s32 $0xFFFFF086  }
0x25: {  	[simem:s6], [sflag:s4] =	dma.local [hbm:s3], $0xF7A  }
0x26: {  	[smem:$0x3F9D] =	sst s1;
	(tag) =	ssettag s2;
	_ =	strace s9  }
0x27: {  	s1 =	sld [smem:$0x3FAD]  }
0x28: {  	s2 =	sld [smem:$0x3FAE]  }
0x29: {  	s4 =	sld [smem:$0x3FB0]  }
0x2a: {  	p0 =	seq.s32 s5, $0x0;
	s5 =	sld [smem:$0x3FB1]  }
0x2b: {  	s6 =	sld [smem:$0x3FB2]  }
0x2c: {  	s7 =	sld [smem:$0x3FB3]  }
0x2d: {  	s3 =	simm.s32 $0x108;
	s8 =	sld [smem:$0x3FB4]  }
0x2e: {  	s3 =	simm.s32 @!p0 $0x1082;
	s9 =	sld [smem:$0x3FB5]  }
0x2f: {  	lr =	sadd.s32 s0, s3;
	s0 =	sld [smem:$0x3FAC]  }
0x30: {  	s3 =	sld [smem:$0x3FAF]  }
0x31: {  	[smem:$0x3FB8] =	sst s10  }
0x32: {  	s10 =	sld [smem:$0x3FB6];
	_ =	sdelay $0x3  }
0x33: {  	p0 =	seq.s32 s10, $0x1;
	s10 =	sld [smem:$0x3FB8];
	_ =	sdelay $0x3  }
0x34: {  	[smem:$0x3FB8] =	sst s10  }
0x35: {  	s10 =	sld [smem:$0x3FB7];
	_ =	sdelay $0x3  }
0x36: {  	p1 =	seq.s32 s10, $0x1;
	s10 =	sld [smem:$0x3FB8];
	_ =	sdelay $0x3  }
0x37: {  	[smem:$0x3FB8] =	sst s10  }
0x38: {  	s10 =	sld [smem:$0x3FB9]  }
0x39: {  	_ = 	snop;
	(pc) =	sbr.ind lr, $3  }
0x3a: {  	_ = 	snop  }
0x3b: {  	_ = 	snop  }
0x3c: {  	p2 =	seq.s32 s10, $0x1;
	s10 =	sld [smem:$0x3FB8]  }
0x3d: {  	_ =	shalt  }
0x3e: {  	_ =	shalt  }
0x3f: {  	_ =	shalt  }
0x40: {  	_ =	shalt  }
0x41: {  	_ =	shalt  }
0x42: {  	_ =	shalt  }
0x43: {  	_ =	shalt  }
0x44: {  	_ =	shalt  }
0x45: {  	_ =	shalt  }
0x46: {  	_ =	shalt  }
0x47: {  	_ =	shalt  }
0x48: {  	_ =	shalt  }
0x49: {  	_ =	shalt  }
0x4a: {  	_ =	shalt  }
0x4b: {  	_ =	shalt  }
0x4c: {  	_ =	shalt  }
0x4d: {  	_ =	shalt  }
0x4e: {  	_ =	shalt  }
0x4f: {  	_ =	shalt  }
0x50: {  	_ =	shalt  }
0x51: {  	_ =	shalt  }
0x52: {  	_ =	shalt  }
0x53: {  	_ =	shalt  }
0x54: {  	_ =	shalt  }
0x55: {  	_ =	shalt  }
0x56: {  	_ =	shalt  }
0x57: {  	_ =	shalt  }
0x58: {  	_ =	shalt  }
0x59: {  	_ =	shalt  }
0x5a: {  	_ =	shalt  }
0x5b: {  	_ =	shalt  }
0x5c: {  	_ =	shalt  }
0x5d: {  	_ =	shalt  }
0x5e: {  	_ =	shalt  }
0x5f: {  	_ =	shalt  }
0x60: {  	_ =	shalt  }
0x61: {  	_ =	shalt  }
0x62: {  	_ =	shalt  }
0x63: {  	_ =	shalt  }
0x64: {  	_ =	shalt  }
0x65: {  	_ =	shalt  }
0x66: {  	_ =	shalt  }
0x67: {  	_ =	shalt  }
0x68: {  	_ =	shalt  }
0x69: {  	_ =	shalt  }
0x6a: {  	_ =	shalt  }
0x6b: {  	_ =	shalt  }
0x6c: {  	_ =	shalt  }
0x6d: {  	_ =	shalt  }
0x6e: {  	_ =	shalt  }
0x6f: {  	_ =	shalt  }
0x70: {  	_ =	shalt  }
0x71: {  	_ =	shalt  }
0x72: {  	_ =	shalt  }
0x73: {  	_ =	shalt  }
0x74: {  	_ =	shalt  }
0x75: {  	_ =	shalt  }
0x76: {  	_ =	shalt  }
0x77: {  	_ =	shalt  }
0x78: {  	_ =	shalt  }
0x79: {  	_ =	shalt  }
0x7a: {  	_ =	shalt  }
0x7b: {  	_ =	shalt  }
0x7c: {  	_ =	shalt  }
0x7d: {  	_ =	shalt  }
0x7e: {  	_ =	shalt  }
0x7f: {  	_ =	shalt  }
0x80: {  	_ =	shalt  }
0x81: {  	_ =	shalt  }
0x82: {  	_ =	shalt  }
0x83: {  	_ =	shalt  }
0x84: {  	_ =	shalt  }
0x85: {  	_ =	shalt  }
0x86: {  	_ =	shalt  }
0x87: {  	_ =	shalt  }
.Lfunc_end0:
.L_simem_size_0:
called_computation.1_lowered:
.L_overlay_start_0:
0x88: {  	s2 =	sld [smem:$0x3FD9]  }
0x89: {  	s3 =	sld [smem:$0x3FFE];
	_ =	sdelay $0x1  }
0x8a: {  	s1 =	srdreg.scid  }
0x8b: {  	s0 =	sand.u32 $0x1, s1  }
0x8c: {  	s17 =	sshll.u32 s0, $0xA;
	s2 =	sadd.s32 s3, s2  }
0x8d: {  	s2 =	sadd.s32 s2, s17  }
0x8e: {  	[smem:$0x3FC4] =	sst s2  }
0x8f: {  	_ = 	snop  }
0x90: {  	s2 =	sld [smem:$0x3FD0];
	(tm) =	ssettm $0x1  }
0x91: {  	s18 =	sld [smem:$0x3FFB];
	_ =	sdelay $0x3  }
0x92: {  	_ =	strace s18  }
0x93: {  	s3 =	sld [smem:$0x3FFC];
	_ =	sdelay $0x3  }
0x94: {  	_ =	strace s3  }
0x95: {  	s3 =	sld [smem:$0x3FFD];
	_ =	sdelay $0x3  }
0x96: {  	_ =	strace s3  }
0x97: {  	_ =	strace $0x8FFFFFFF  }
0x98: {  	s19 =	sld [smem:$0x3FDB];
	_ =	sdelay $0x1  }
0x99: {  	s4 =	simm.s32 $_scs_section_size  }
0x9a: {  	s5 =	simm.s32 $_size__tile_overlayer_lowered;
	s6 =	simm.s32 $_tile_overlayer_lowered  }
0x9b: {  	s22 =	simm.s32 $0x1BFF;
	s21 =	sshll.u32 s6, $0x1;
	s3 =	sadd.s32 s4, s19  }
0x9c: {  	s7 =	simm.s32 $0x0;
	s20 =	sshll.u32 s5, $0x1;
	s5 =	sadd.s32 s21, s3  }
0x9d: {  	[timem:s7], [sflag:s22] =	dma.local [hbm:s5], s20  }
0x9e: {  	_ =	swait.ge [sflag:s22], s20  }
0x9f: {  	s4 =	ssub.s32 $0x0, s20;
	[sflag:s22] =	ssyncset.done $0x0  }
0xa0: {  	[sflag:s22] =	ssyncadd.s32 s4;
	_ =	sdelay $0x1  }
0xa1: {  	s23 =	simm.s32 $0x1B8B  }
0xa2: {  	_ =	swait.ge [sflag:s23], $0x1  }
0xa3: {  	[sflag:s23] =	ssyncset.done $0x0  }
0xa4: {  	s25 =	simm.s32 $0x1B8E;
	s24 =	sld [smem:$0x3FFE];
	[sflag:s23] =	ssyncadd.s32 $0xFFFFFFFF  }
0xa5: {  	s26 =	simm.s32 $execute0_lowered;
	[smem:$0x3FD2] =	sst s25  }
0xa6: {  	s5 =	sshll.u32 s26, $0x1;
	_ =	strace $0x80000049;
	[dreg:$0x1] =	wrdreg $0xFFFFFFFF  }
0xa7: {  	s28 =	simm.s32 $_size_execute0_lowered;
	s3 =	sadd.s32 s3, s5;
	[dreg:$0x0] =	wrdreg $0x0  }
0xa8: {  	s5 =	sshll.u32 s28, $0x1;
	[dreg:$0x2] =	wrdreg s3  }
0xa9: {  	[dreg:$0x3] =	wrdreg s5  }
0xaa: {  	[dreg:$0x4] =	wrdreg $0xC0  }
0xab: {  	_ =	task [dreg:s7], $0x5FFFF  }
0xac: {  	[dreg:$0x1] =	wrdreg $0xFFFFFFFF  }
0xad: {  	[dreg:$0x0] =	wrdreg $0x60  }
0xae: {  	[dreg:$0x2] =	wrdreg s24  }
0xaf: {  	[dreg:$0x3] =	wrdreg s2  }
0xb0: {  	[dreg:$0x4] =	wrdreg $0x88800  }
0xb1: {  	[dreg:$0x5] =	wrdreg $0x1C8800  }
0xb2: {  	[dreg:$0x6] =	wrdreg $0x9  }
0xb3: {  	_ =	task.clear_ibuf [dreg:s7], $0x7FFFF;
	_ =	strace $0x90000049  }
0xb4: {  	s29 =	simm.s32 $0x9;
	_ =	strace $0x8000004B  }
0xb5: {  	_ =	swait.ge [sflag:s29], $0x1  }
0xb6: {  	[sflag:s29] =	ssyncadd.s32 $0xFFFFFFFF  }
0xb7: {  	_ =	strace $0x9000004B  }
0xb8: {  	_ =	sfence  }
0xb9: {  	s30 =	sld [smem:$0x0];
	_ =	sdelay $0x2  }
0xba: {  	s31 =	sshll.u32 s1, $0xD;
	s1 =	sshrl.u32 s1, $0x2  }
0xbb: {  	s3 =	sand.u32 $0x4000, s31;
	s1 =	sadd.s32 s1, s30  }
0xbc: {  	s0 =	sor.u32 s3, s0;
	s1 =	sshll.u32 s1, $0x11  }
0xbd: {  	s0 =	sor.u32 s1, s0  }
0xbe: {  	s0 =	sadd.s32 $0x8F2B, s0  }
0xbf: {  	[sflag:s0] =	ssyncadd.remote.s32 $0x1  }
0xc0: {  	_ =	sfence.sel $0xFFFF  }
0xc1: {  	[dreg:$0x0] =	wrdreg $0xFFFFFFFF;
	(pc) =	sbr.abs _section_cstart, $3  }
0xc2: {  	[dreg:$0x1] =	wrdreg $0xFFFFFFFF  }
0xc3: {  	_ =	task.clear_ibuf [dreg:s7], $0x2FFFF;
	_ =	strace $0x9FFFFFFF  }
0xc4: {  	(tm) =	ssettm $0x7FFFFFFF  }
0xc5: {  	_ =	shalt  }
tec
execute0_lowered:
.L_overlay_start_1:
0x0: {  	(tag) =	ssettag $0x1  }
0x1: {  	s0 =	rddreg [dreg:$0x0]  }
0x2: {  	s1 =	rddreg [dreg:$0x1]  }
0x3: {  	s2 =	rddreg [dreg:$0x2]  }
0x4: {  	s3 =	rddreg [dreg:$0x3]  }
0x5: {  	s4 =	simm.s32 $0x0;
	s14 =	stileid.u32;
	s19 =	srdreg.scid  }
0x6: {  	s16 =	simm.s32 $0x3;
	s17 =	simm.s32 $0x400;
	s18 =	simm.s32 $0x80  }
0x7: {  	s28 =	simm.s32 $0x800;
	s29 =	simm.s32 $0x4800;
	s5 =	smul.u32 $0xA00, s14  }
0x8: {  	s30 =	simm.s32 $0x1;
	s31 =	simm.s32 $0x100;
	s6 =	smul.u32 $0x280, s14  }
0x9: {  	[smem:$0x7FF] =	sst s4;
	s8 =	smul.u32 $0x2800, s14;
	s10 =	sand.u32 $0x1, s19  }
0xa: {  	s11 =	smul.u32 $0x50000, s14;
	s26 =	sshll.u32 s14, $0x6;
	s19 =	simm.s32 $0x8800  }
0xb: {  	s14 =	simm.s32 $0x0;
	_ =	strace $0x8000004A;
	s13 =	ssub.s32 $0x2, s10  }
0xc: {  	p0 =	seq.s32 s10, $0x1;
	s7 =	sadd.s32 s5, s0;
	s9 =	sshrl.u32 s6, $0x3  }
0xd: {  	s5 =	sadd.s32 $0x16600, s0;
	s20 =	sshrl.u32 s13, $0x1;
	s11 =	sshrl.u32 s11, $0x2  }
0xe: {  	s23 =	sadd.s32 s6, s3;
	s6 =	simm.s32 $0x200;
	s12 =	sadd.s32 s9, s0  }
0xf: {  	s0 =	sadd.s32 s8, s0;
	s8 =	ssub.s32 s13, s20;
	s21 =	sadd.s32 s11, s2  }
0x10: {  	s1 =	sadd.s32 s1, s9;
	s13 =	sadd.s32 $0xC000, s7;
	s11 =	sor.u32 $0x1C03, s26  }
0x11: {  	s20 =	simm.s32 $0x480;
	s26 =	simm.s32 $0x780;
	[dreg:$0x5] =	wrdreg s21  }
0x12: {  	s9 =	simm.s32 $0x380;
	s22 =	sadd.s32 $0x3E600, s0;
	[dreg:$0x9] =	wrdreg s1  }
0x13: {  	s0 =	sadd.s32 $0x66600, s0;
	s24 =	sadd.s32 $0x16000, s12;
	[dreg:$0xb] =	wrdreg s11  }
0x14: {  	s25 =	smax.u32 s8, $0x1;
	s12 =	sadd.s32 $0x2000, s7;
	[dreg:$0x6] =	wrdreg s22  }
.Ltmp0:
0x15: {  	s21 =	simm.s32 $0x500;
	[dreg:$0x7] =	wrdreg s0;
	(pc) =	sbr.rel .LBB2_1-.Ltmp0, $4  }
0x16: {  	s1 =	simm.s32 $0x180;
	s7 =	simm.s32 $0x280;
	[dreg:$0x8] =	wrdreg s24  }
0x17: {  	s8 =	simm.s32 $0x300;
	[dreg:$0xa] =	wrdreg s25;
	s0 =	sshrl.u32 s23, $0x3  }
0x18: {  	s22 =	simm.s32 $0x580;
	s23 =	simm.s32 $0x600;
	s24 =	simm.s32 $0x680  }
0x19: {  	v0 =	vimm.f32 $1.000000000e+00;
	s25 =	simm.s32 $0x700;
	[dreg:$0xc] =	wrdreg s0;
	s0 =	simm.s32 $0x2  }
.LBB2_7:
0x1a: {  	s10 =	sadd.s32 s11, s13;
	[sflag:s16] =	ssyncadd.s32 $0xFFFFFF80  }
0x1b: {  	[tilespmem:s17], [sflag:$0x3] =	stream.linear.gather [hbm4b:s10+s4], $0x400, $0x38;
	[tilespmem:$0x1CB00] =	vst v63  }
0x1c: {  	_ =	swait.ge [sflag:s16], $0x400  }
0x1d: {  	[sflag:s16] =	ssyncset.done $0x0  }
0x1e: {  	[sflag:s16] =	ssyncadd.s32 $0xFFFFFC00  }
0x1f: {  	[spmem:s3] =	stream.indirect.scatter.add.f32 [tilespmem:s19], [sflag:$0x3], $0x1, s17, s18, $0xb8;
	[tilespmem:$0x1CB00] =	vst v63  }
0x20: {  	_ =	swait.ge [sflag:s16], $0x80  }
0x21: {  	[sflag:s16] =	ssyncset.done $0x0  }
0x22: {  	[sflag:s16] =	ssyncadd.s32 $0xFFFFFF80  }
0x23: {  	[spmem:s3] =	stream.indirect.scatter.add.f32 [tilespmem:s19], [sflag:$0x3], $0x1, s20, s18, $0xb8;
	[tilespmem:$0x1CB00] =	vst v63  }
0x24: {  	_ =	swait.ge [sflag:s16], $0x80  }
0x25: {  	[sflag:s16] =	ssyncset.done $0x0  }
0x26: {  	[sflag:s16] =	ssyncadd.s32 $0xFFFFFF80  }
0x27: {  	[spmem:s3] =	stream.indirect.scatter.add.f32 [tilespmem:s19], [sflag:$0x3], $0x1, s21, s18, $0xb8;
	[tilespmem:$0x1CB00] =	vst v63  }
0x28: {  	_ =	swait.ge [sflag:s16], $0x80  }
0x29: {  	[sflag:s16] =	ssyncset.done $0x0  }
0x2a: {  	[sflag:s16] =	ssyncadd.s32 $0xFFFFFF80  }
0x2b: {  	[spmem:s3] =	stream.indirect.scatter.add.f32 [tilespmem:s19], [sflag:$0x3], $0x1, s22, s18, $0xb8;
	[tilespmem:$0x1CB00] =	vst v63  }
0x2c: {  	_ =	swait.ge [sflag:s16], $0x80  }
0x2d: {  	[sflag:s16] =	ssyncset.done $0x0  }
0x2e: {  	[sflag:s16] =	ssyncadd.s32 $0xFFFFFF80  }
0x2f: {  	[spmem:s3] =	stream.indirect.scatter.add.f32 [tilespmem:s19], [sflag:$0x3], $0x1, s23, s18, $0xb8;
	[tilespmem:$0x1CB00] =	vst v63  }
0x30: {  	_ =	swait.ge [sflag:s16], $0x80  }
0x31: {  	[sflag:s16] =	ssyncset.done $0x0  }
0x32: {  	[sflag:s16] =	ssyncadd.s32 $0xFFFFFF80  }
0x33: {  	[spmem:s3] =	stream.indirect.scatter.add.f32 [tilespmem:s19], [sflag:$0x3], $0x1, s24, s18, $0xb8;
	[tilespmem:$0x1CB00] =	vst v63  }
0x34: {  	_ =	swait.ge [sflag:s16], $0x80  }
0x35: {  	[sflag:s16] =	ssyncset.done $0x0  }
0x36: {  	[sflag:s16] =	ssyncadd.s32 $0xFFFFFF80  }
0x37: {  	[spmem:s3] =	stream.indirect.scatter.add.f32 [tilespmem:s19], [sflag:$0x3], $0x1, s25, s18, $0xb8;
	[tilespmem:$0x1CB00] =	vst v63  }
0x38: {  	_ =	swait.ge [sflag:s16], $0x80  }
0x39: {  	[sflag:s16] =	ssyncset.done $0x0  }
0x3a: {  	[sflag:s16] =	ssyncadd.s32 $0xFFFFFF80  }
0x3b: {  	[spmem:s3] =	stream.indirect.scatter.add.f32 [tilespmem:s19], [sflag:$0x3], $0x1, s26, s18, $0xb8;
	[tilespmem:$0x1CB00] =	vst v63  }
0x3c: {  	_ =	swait.ge [sflag:s16], $0x80  }
0x3d: {  	[sflag:s16] =	ssyncset.done $0x0  }
0x3e: {  	[sflag:s16] =	ssyncadd.s32 $0xFFFFFF80  }
0x3f: {  	[bflag:$0x0] =	sbarrier.arrive $0xFFFF  }
0x40: {  	s15 =	rddreg [dreg:$0x9]  }
0x41: {  	s11 =	rddreg [dreg:$0xb]  }
0x42: {  	s14 =	rddreg [dreg:$0xc]  }
0x43: {  	[hbm:s15], [sflag:s11] =	dma.local [spmem:s14], $0x50  }
0x44: {  	_ =	swait.ge [sflag:s16], $0x50  }
0x45: {  	[sflag:s16] =	ssyncset.done $0x0  }
0x46: {  	s14 =	rddreg [dreg:$0xd];
	[sflag:s16] =	ssyncadd.s32 $0xFFFFFFB0  }
.LBB2_8:
0x47: {  	s14 =	sadd.s32 $0x1, s14;
	s10 =	rddreg [dreg:$0xa]  }
0x48: {  	p1 =	sne.s32 s14, s10  }
.Ltmp1:
0x49: {  	_ = 	snop;
	(pc) =	sbr.rel @!p1 .LBB2_9-.Ltmp1, $1  }
0x4a: {  	_ =	sdelay $0x3  }
.LBB2_1:
.Ltmp2:
0x4b: {  	(pc) =	sbr.rel @!p0 .LBB2_2-.Ltmp2, $2  }
0x4c: {  	_ =	sdelay $0x2  }
0x4d: {  	[dreg:$0xd] =	wrdreg s14  }
0x4e: {  	[tilespmem:$0x8800] =	vst v0  }
0x4f: {  	[tilespmem:$0x8810] =	vst v0  }
0x50: {  	[tilespmem:$0x8820] =	vst v0  }
0x51: {  	[tilespmem:$0x8830] =	vst v0  }
0x52: {  	[tilespmem:$0x8840] =	vst v0  }
0x53: {  	[tilespmem:$0x8850] =	vst v0  }
0x54: {  	[tilespmem:$0x8860] =	vst v0;
	s10 =	rddreg [dreg:$0x8]  }
0x55: {  	[tilespmem:$0x8870] =	vst v0;
	s14 =	rddreg [dreg:$0xc]  }
0x56: {  	[spmem:s14], [sflag:s11] =	dma.local [hbm:s10], $0x50  }
0x57: {  	_ =	swait.ge [sflag:s16], $0x50  }
0x58: {  	[sflag:s16] =	ssyncset.done $0x0  }
0x59: {  	[sflag:s16] =	ssyncadd.s32 $0xFFFFFFB0  }
0x5a: {  	s15 =	sadd.s32 $0x0, s13;
	[bflag:$0x0] =	sbarrier.arrive $0xFFFF  }
0x5b: {  	[tilespmem:s17], [sflag:$0x3] =	stream.linear.gather [hbm4b:s15+s4], $0x400, $0x38;
	[tilespmem:$0x1CB00] =	vst v63  }
0x5c: {  	_ =	swait.ge [sflag:s16], $0x400  }
0x5d: {  	[sflag:s16] =	ssyncset.done $0x0  }
0x5e: {  	[sflag:s16] =	ssyncadd.s32 $0xFFFFFC00  }
0x5f: {  	[spmem:s3] =	stream.indirect.scatter.add.f32 [tilespmem:s19], [sflag:$0x3], $0x1, s17, s18, $0xb8;
	[tilespmem:$0x1CB00] =	vst v63  }
0x60: {  	_ =	swait.ge [sflag:s16], $0x80  }
0x61: {  	[sflag:s16] =	ssyncset.done $0x0  }
0x62: {  	[sflag:s16] =	ssyncadd.s32 $0xFFFFFF80  }
0x63: {  	[spmem:s3] =	stream.indirect.scatter.add.f32 [tilespmem:s19], [sflag:$0x3], $0x1, s20, s18, $0xb8;
	[tilespmem:$0x1CB00] =	vst v63  }
0x64: {  	_ =	swait.ge [sflag:s16], $0x80  }
0x65: {  	[sflag:s16] =	ssyncset.done $0x0  }
0x66: {  	[sflag:s16] =	ssyncadd.s32 $0xFFFFFF80  }
0x67: {  	[spmem:s3] =	stream.indirect.scatter.add.f32 [tilespmem:s19], [sflag:$0x3], $0x1, s21, s18, $0xb8;
	[tilespmem:$0x1CB00] =	vst v63  }
0x68: {  	_ =	swait.ge [sflag:s16], $0x80  }
0x69: {  	[sflag:s16] =	ssyncset.done $0x0  }
0x6a: {  	[sflag:s16] =	ssyncadd.s32 $0xFFFFFF80  }
0x6b: {  	[spmem:s3] =	stream.indirect.scatter.add.f32 [tilespmem:s19], [sflag:$0x3], $0x1, s22, s18, $0xb8;
	[tilespmem:$0x1CB00] =	vst v63  }
0x6c: {  	_ =	swait.ge [sflag:s16], $0x80  }
0x6d: {  	[sflag:s16] =	ssyncset.done $0x0  }
0x6e: {  	[sflag:s16] =	ssyncadd.s32 $0xFFFFFF80  }
0x6f: {  	[spmem:s3] =	stream.indirect.scatter.add.f32 [tilespmem:s19], [sflag:$0x3], $0x1, s23, s18, $0xb8;
	[tilespmem:$0x1CB00] =	vst v63  }
0x70: {  	_ =	swait.ge [sflag:s16], $0x80  }
0x71: {  	[sflag:s16] =	ssyncset.done $0x0  }
0x72: {  	[sflag:s16] =	ssyncadd.s32 $0xFFFFFF80  }
0x73: {  	[spmem:s3] =	stream.indirect.scatter.add.f32 [tilespmem:s19], [sflag:$0x3], $0x1, s24, s18, $0xb8;
	[tilespmem:$0x1CB00] =	vst v63  }
0x74: {  	_ =	swait.ge [sflag:s16], $0x80  }
0x75: {  	[sflag:s16] =	ssyncset.done $0x0  }
0x76: {  	[sflag:s16] =	ssyncadd.s32 $0xFFFFFF80  }
0x77: {  	[spmem:s3] =	stream.indirect.scatter.add.f32 [tilespmem:s19], [sflag:$0x3], $0x1, s25, s18, $0xb8;
	[tilespmem:$0x1CB00] =	vst v63  }
0x78: {  	_ =	swait.ge [sflag:s16], $0x80  }
0x79: {  	[sflag:s16] =	ssyncset.done $0x0  }
0x7a: {  	[sflag:s16] =	ssyncadd.s32 $0xFFFFFF80  }
0x7b: {  	[spmem:s3] =	stream.indirect.scatter.add.f32 [tilespmem:s19], [sflag:$0x3], $0x1, s26, s18, $0xb8;
	[tilespmem:$0x1CB00] =	vst v63  }
0x7c: {  	_ =	swait.ge [sflag:s16], $0x80  }
0x7d: {  	s11 =	simm.s32 $0x80;
	s15 =	simm.s32 $0x100;
	[sflag:s16] =	ssyncset.done $0x0  }
.LBB2_6:
0x7e: {  	s10 =	sadd.s32 s11, s13  }
0x7f: {  	[sflag:s16] =	ssyncadd.s32 $0xFFFFFF80;
	s11 =	smov.u32 s15;
	s14 =	sadd.s32 $0x80, s15  }
0x80: {  	[tilespmem:s17], [sflag:$0x3] =	stream.linear.gather [hbm4b:s10+s4], $0x400, $0x38;
	[tilespmem:$0x1CB00] =	vst v63  }
0x81: {  	p1 =	sne.s32 s15, $0x980;
	_ =	swait.ge [sflag:s16], $0x400  }
0x82: {  	[sflag:s16] =	ssyncset.done $0x0  }
0x83: {  	[sflag:s16] =	ssyncadd.s32 $0xFFFFFC00  }
0x84: {  	[spmem:s3] =	stream.indirect.scatter.add.f32 [tilespmem:s19], [sflag:$0x3], $0x1, s17, s18, $0xb8;
	[tilespmem:$0x1CB00] =	vst v63  }
0x85: {  	_ =	swait.ge [sflag:s16], $0x80  }
0x86: {  	[sflag:s16] =	ssyncset.done $0x0  }
0x87: {  	[sflag:s16] =	ssyncadd.s32 $0xFFFFFF80  }
0x88: {  	[spmem:s3] =	stream.indirect.scatter.add.f32 [tilespmem:s19], [sflag:$0x3], $0x1, s20, s18, $0xb8;
	[tilespmem:$0x1CB00] =	vst v63  }
0x89: {  	_ =	swait.ge [sflag:s16], $0x80  }
0x8a: {  	[sflag:s16] =	ssyncset.done $0x0  }
0x8b: {  	[sflag:s16] =	ssyncadd.s32 $0xFFFFFF80  }
0x8c: {  	[spmem:s3] =	stream.indirect.scatter.add.f32 [tilespmem:s19], [sflag:$0x3], $0x1, s21, s18, $0xb8;
	[tilespmem:$0x1CB00] =	vst v63  }
0x8d: {  	_ =	swait.ge [sflag:s16], $0x80  }
0x8e: {  	[sflag:s16] =	ssyncset.done $0x0  }
0x8f: {  	[sflag:s16] =	ssyncadd.s32 $0xFFFFFF80  }
0x90: {  	[spmem:s3] =	stream.indirect.scatter.add.f32 [tilespmem:s19], [sflag:$0x3], $0x1, s22, s18, $0xb8;
	[tilespmem:$0x1CB00] =	vst v63  }
0x91: {  	_ =	swait.ge [sflag:s16], $0x80  }
0x92: {  	[sflag:s16] =	ssyncset.done $0x0  }
0x93: {  	[sflag:s16] =	ssyncadd.s32 $0xFFFFFF80  }
0x94: {  	[spmem:s3] =	stream.indirect.scatter.add.f32 [tilespmem:s19], [sflag:$0x3], $0x1, s23, s18, $0xb8;
	[tilespmem:$0x1CB00] =	vst v63  }
0x95: {  	_ =	swait.ge [sflag:s16], $0x80  }
0x96: {  	[sflag:s16] =	ssyncset.done $0x0  }
0x97: {  	[sflag:s16] =	ssyncadd.s32 $0xFFFFFF80  }
0x98: {  	[spmem:s3] =	stream.indirect.scatter.add.f32 [tilespmem:s19], [sflag:$0x3], $0x1, s24, s18, $0xb8;
	[tilespmem:$0x1CB00] =	vst v63  }
0x99: {  	_ =	swait.ge [sflag:s16], $0x80  }
0x9a: {  	[sflag:s16] =	ssyncset.done $0x0  }
0x9b: {  	[sflag:s16] =	ssyncadd.s32 $0xFFFFFF80  }
0x9c: {  	[spmem:s3] =	stream.indirect.scatter.add.f32 [tilespmem:s19], [sflag:$0x3], $0x1, s25, s18, $0xb8;
	[tilespmem:$0x1CB00] =	vst v63  }
0x9d: {  	_ =	swait.ge [sflag:s16], $0x80  }
.Ltmp3:
0x9e: {  	[sflag:s16] =	ssyncset.done $0x0;
	(pc) =	sbr.rel @p1 .LBB2_6-.Ltmp3, $4  }
0x9f: {  	[sflag:s16] =	ssyncadd.s32 $0xFFFFFF80  }
0xa0: {  	[spmem:s3] =	stream.indirect.scatter.add.f32 [tilespmem:s19], [sflag:$0x3], $0x1, s26, s18, $0xb8;
	[tilespmem:$0x1CB00] =	vst v63  }
0xa1: {  	_ =	swait.ge [sflag:s16], $0x80  }
0xa2: {  	s15 =	smov.u32 s14;
	[sflag:s16] =	ssyncset.done $0x0  }
.Ltmp4:
0xa3: {  	_ = 	snop;
	(pc) =	sbr.rel .LBB2_7-.Ltmp4, $1  }
0xa4: {  	_ =	sdelay $0x3  }
.LBB2_2:
0xa5: {  	s10 =	rddreg [dreg:$0x5]  }
0xa6: {  	s15 =	rddreg [dreg:$0x6];
	s14 =	sshrl.u32 s10, $0x3  }
0xa7: {  	[dreg:$0xe] =	wrdreg s14  }
0xa8: {  	[spmem:s14], [sflag:s11] =	dma.local [hbm:s15], $0x2800  }
0xa9: {  	_ =	swait.ge [sflag:s16], $0x2800  }
0xaa: {  	[sflag:s16] =	ssyncset.done $0x0  }
0xab: {  	[sflag:s16] =	ssyncadd.s32 $0xFFFFD800  }
0xac: {  	s15 =	sadd.s32 $0x0, s12;
	[bflag:$0x0] =	sbarrier.arrive $0xFFFF  }
0xad: {  	[tilespmem:s4], [sflag:$0x3] =	stream.linear.gather [hbm4b:s15+s4], $0x400, $0x38;
	[tilespmem:$0x1CB00] =	vst v63  }
0xae: {  	_ =	swait.ge [sflag:s16], $0x400  }
0xaf: {  	[sflag:s16] =	ssyncset.done $0x0  }
0xb0: {  	s11 =	sadd.s32 $0xA000, s15;
	[sflag:s16] =	ssyncadd.s32 $0xFFFFFC00  }
0xb1: {  	[tilespmem:s17], [sflag:$0x3] =	stream.linear.gather [hbm4b:s11+s4], $0x400, $0x38;
	[tilespmem:$0x1CB00] =	vst v63  }
0xb2: {  	_ =	swait.ge [sflag:s16], $0x400  }
0xb3: {  	[sflag:s16] =	ssyncset.done $0x0  }
0xb4: {  	[sflag:s16] =	ssyncadd.s32 $0xFFFFFC00  }
0xb5: {  	[tilespmem:s28], [sflag:$0x1] =	stream.indirect.gather [hbm4b:s5+s18], $0x80, s4, s18, $0xb8;
	[tilespmem:$0x1CB00] =	vst v63  }
0xb6: {  	_ = 	snop  }
0xb7: {  	[tilespmem:s29], [sflag:$0x2] =	stream.indirect.gather [hbm4b:s5+s18], $0x80, s18, s18, $0xb8;
	[tilespmem:$0x1CB00] =	vst v63  }
0xb8: {  	_ =	swait.ge [sflag:s30], $0x4000  }
0xb9: {  	[sflag:s30] =	ssyncset.done $0x0  }
0xba: {  	[sflag:s30] =	ssyncadd.s32 $0xFFFFC000  }
0xbb: {  	[spmem:s2] =	stream.indirect.scatter.add.f32 [tilespmem:s28], [sflag:$0x3], $0x80, s17, s18, $0xb8;
	[tilespmem:$0x1CB00] =	vst v63  }
0xbc: {  	_ =	swait.ge [sflag:s16], $0x4000  }
0xbd: {  	[sflag:s16] =	ssyncset.done $0x0  }
0xbe: {  	[sflag:s16] =	ssyncadd.s32 $0xFFFFC000  }
0xbf: {  	[tilespmem:s28], [sflag:$0x1] =	stream.indirect.gather [hbm4b:s5+s18], $0x80, s31, s18, $0xb8;
	[tilespmem:$0x1CB00] =	vst v63  }
0xc0: {  	_ =	swait.ge [sflag:s0], $0x4000  }
0xc1: {  	[sflag:s0] =	ssyncset.done $0x0  }
0xc2: {  	[sflag:s0] =	ssyncadd.s32 $0xFFFFC000  }
0xc3: {  	[spmem:s2] =	stream.indirect.scatter.add.f32 [tilespmem:s29], [sflag:$0x3], $0x80, s20, s18, $0xb8;
	[tilespmem:$0x1CB00] =	vst v63  }
0xc4: {  	_ =	swait.ge [sflag:s16], $0x4000  }
0xc5: {  	[sflag:s16] =	ssyncset.done $0x0  }
0xc6: {  	[sflag:s16] =	ssyncadd.s32 $0xFFFFC000  }
0xc7: {  	[tilespmem:s29], [sflag:$0x2] =	stream.indirect.gather [hbm4b:s5+s18], $0x80, s1, s18, $0xb8;
	[tilespmem:$0x1CB00] =	vst v63  }
0xc8: {  	_ =	swait.ge [sflag:s30], $0x4000  }
0xc9: {  	[sflag:s30] =	ssyncset.done $0x0  }
0xca: {  	[sflag:s30] =	ssyncadd.s32 $0xFFFFC000  }
0xcb: {  	[spmem:s2] =	stream.indirect.scatter.add.f32 [tilespmem:s28], [sflag:$0x3], $0x80, s21, s18, $0xb8;
	[tilespmem:$0x1CB00] =	vst v63  }
0xcc: {  	_ =	swait.ge [sflag:s16], $0x4000  }
0xcd: {  	[sflag:s16] =	ssyncset.done $0x0  }
0xce: {  	[sflag:s16] =	ssyncadd.s32 $0xFFFFC000  }
0xcf: {  	[tilespmem:s28], [sflag:$0x1] =	stream.indirect.gather [hbm4b:s5+s18], $0x80, s6, s18, $0xb8;
	[tilespmem:$0x1CB00] =	vst v63  }
0xd0: {  	_ =	swait.ge [sflag:s0], $0x4000  }
0xd1: {  	[sflag:s0] =	ssyncset.done $0x0  }
0xd2: {  	[sflag:s0] =	ssyncadd.s32 $0xFFFFC000  }
0xd3: {  	[spmem:s2] =	stream.indirect.scatter.add.f32 [tilespmem:s29], [sflag:$0x3], $0x80, s22, s18, $0xb8;
	[tilespmem:$0x1CB00] =	vst v63  }
0xd4: {  	_ =	swait.ge [sflag:s16], $0x4000  }
0xd5: {  	[sflag:s16] =	ssyncset.done $0x0  }
0xd6: {  	[sflag:s16] =	ssyncadd.s32 $0xFFFFC000  }
0xd7: {  	[tilespmem:s29], [sflag:$0x2] =	stream.indirect.gather [hbm4b:s5+s18], $0x80, s7, s18, $0xb8;
	[tilespmem:$0x1CB00] =	vst v63  }
0xd8: {  	_ =	swait.ge [sflag:s30], $0x4000  }
0xd9: {  	[sflag:s30] =	ssyncset.done $0x0  }
0xda: {  	[sflag:s30] =	ssyncadd.s32 $0xFFFFC000  }
0xdb: {  	[spmem:s2] =	stream.indirect.scatter.add.f32 [tilespmem:s28], [sflag:$0x3], $0x80, s23, s18, $0xb8;
	[tilespmem:$0x1CB00] =	vst v63  }
0xdc: {  	_ =	swait.ge [sflag:s16], $0x4000  }
0xdd: {  	[sflag:s16] =	ssyncset.done $0x0  }
0xde: {  	[sflag:s16] =	ssyncadd.s32 $0xFFFFC000  }
0xdf: {  	[tilespmem:s28], [sflag:$0x1] =	stream.indirect.gather [hbm4b:s5+s18], $0x80, s8, s18, $0xb8;
	[tilespmem:$0x1CB00] =	vst v63  }
0xe0: {  	_ =	swait.ge [sflag:s0], $0x4000  }
0xe1: {  	[sflag:s0] =	ssyncset.done $0x0  }
0xe2: {  	[sflag:s0] =	ssyncadd.s32 $0xFFFFC000  }
0xe3: {  	[spmem:s2] =	stream.indirect.scatter.add.f32 [tilespmem:s29], [sflag:$0x3], $0x80, s24, s18, $0xb8;
	[tilespmem:$0x1CB00] =	vst v63  }
0xe4: {  	_ =	swait.ge [sflag:s16], $0x4000  }
0xe5: {  	[sflag:s16] =	ssyncset.done $0x0  }
0xe6: {  	[sflag:s16] =	ssyncadd.s32 $0xFFFFC000  }
0xe7: {  	[tilespmem:s29], [sflag:$0x2] =	stream.indirect.gather [hbm4b:s5+s18], $0x80, s9, s18, $0xb8;
	[tilespmem:$0x1CB00] =	vst v63  }
0xe8: {  	_ =	swait.ge [sflag:s30], $0x4000  }
0xe9: {  	[sflag:s30] =	ssyncset.done $0x0  }
0xea: {  	[sflag:s30] =	ssyncadd.s32 $0xFFFFC000  }
0xeb: {  	[spmem:s2] =	stream.indirect.scatter.add.f32 [tilespmem:s28], [sflag:$0x3], $0x80, s25, s18, $0xb8;
	[tilespmem:$0x1CB00] =	vst v63  }
0xec: {  	_ =	swait.ge [sflag:s16], $0x4000  }
0xed: {  	[sflag:s16] =	ssyncset.done $0x0  }
0xee: {  	[sflag:s16] =	ssyncadd.s32 $0xFFFFC000  }
0xef: {  	_ =	swait.ge [sflag:s0], $0x4000  }
0xf0: {  	[sflag:s0] =	ssyncset.done $0x0  }
0xf1: {  	[sflag:s0] =	ssyncadd.s32 $0xFFFFC000  }
0xf2: {  	[spmem:s2] =	stream.indirect.scatter.add.f32 [tilespmem:s29], [sflag:$0x3], $0x80, s26, s18, $0xb8;
	[tilespmem:$0x1CB00] =	vst v63  }
0xf3: {  	_ =	swait.ge [sflag:s16], $0x4000  }
0xf4: {  	s14 =	simm.s32 $0x100;
	s15 =	simm.s32 $0x80;
	[sflag:s16] =	ssyncset.done $0x0  }
.LBB2_3:
0xf5: {  	s10 =	sadd.s32 s15, s12  }
0xf6: {  	[sflag:s16] =	ssyncadd.s32 $0xFFFFC000;
	s15 =	smov.u32 s14;
	s11 =	sadd.s32 $0x80, s14  }
0xf7: {  	[tilespmem:s4], [sflag:$0x3] =	stream.linear.gather [hbm4b:s10+s4], $0x400, $0x38;
	[tilespmem:$0x1CB00] =	vst v63  }
0xf8: {  	p1 =	sne.s32 s14, $0x980;
	_ =	swait.ge [sflag:s16], $0x400  }
0xf9: {  	[sflag:s16] =	ssyncset.done $0x0  }
0xfa: {  	s10 =	sadd.s32 $0xA000, s10;
	[sflag:s16] =	ssyncadd.s32 $0xFFFFFC00  }
0xfb: {  	[tilespmem:s17], [sflag:$0x3] =	stream.linear.gather [hbm4b:s10+s4], $0x400, $0x38;
	[tilespmem:$0x1CB00] =	vst v63  }
0xfc: {  	_ =	swait.ge [sflag:s16], $0x400  }
0xfd: {  	[sflag:s16] =	ssyncset.done $0x0  }
0xfe: {  	[sflag:s16] =	ssyncadd.s32 $0xFFFFFC00  }
0xff: {  	[tilespmem:s28], [sflag:$0x1] =	stream.indirect.gather [hbm4b:s5+s18], $0x80, s4, s18, $0xb8;
	[tilespmem:$0x1CB00] =	vst v63  }
0x100: {  	_ = 	snop  }
0x101: {  	[tilespmem:s29], [sflag:$0x2] =	stream.indirect.gather [hbm4b:s5+s18], $0x80, s18, s18, $0xb8;
	[tilespmem:$0x1CB00] =	vst v63  }
0x102: {  	_ =	swait.ge [sflag:s30], $0x4000  }
0x103: {  	[sflag:s30] =	ssyncset.done $0x0  }
0x104: {  	[sflag:s30] =	ssyncadd.s32 $0xFFFFC000  }
0x105: {  	[spmem:s2] =	stream.indirect.scatter.add.f32 [tilespmem:s28], [sflag:$0x3], $0x80, s17, s18, $0xb8;
	[tilespmem:$0x1CB00] =	vst v63  }
0x106: {  	_ =	swait.ge [sflag:s16], $0x4000  }
0x107: {  	[sflag:s16] =	ssyncset.done $0x0  }
0x108: {  	[sflag:s16] =	ssyncadd.s32 $0xFFFFC000  }
0x109: {  	[tilespmem:s28], [sflag:$0x1] =	stream.indirect.gather [hbm4b:s5+s18], $0x80, s31, s18, $0xb8;
	[tilespmem:$0x1CB00] =	vst v63  }
0x10a: {  	_ =	swait.ge [sflag:s0], $0x4000  }
0x10b: {  	[sflag:s0] =	ssyncset.done $0x0  }
0x10c: {  	[sflag:s0] =	ssyncadd.s32 $0xFFFFC000  }
0x10d: {  	[spmem:s2] =	stream.indirect.scatter.add.f32 [tilespmem:s29], [sflag:$0x3], $0x80, s20, s18, $0xb8;
	[tilespmem:$0x1CB00] =	vst v63  }
0x10e: {  	_ =	swait.ge [sflag:s16], $0x4000  }
0x10f: {  	[sflag:s16] =	ssyncset.done $0x0  }
0x110: {  	[sflag:s16] =	ssyncadd.s32 $0xFFFFC000  }
0x111: {  	[tilespmem:s29], [sflag:$0x2] =	stream.indirect.gather [hbm4b:s5+s18], $0x80, s1, s18, $0xb8;
	[tilespmem:$0x1CB00] =	vst v63  }
0x112: {  	_ =	swait.ge [sflag:s30], $0x4000  }
0x113: {  	[sflag:s30] =	ssyncset.done $0x0  }
0x114: {  	[sflag:s30] =	ssyncadd.s32 $0xFFFFC000  }
0x115: {  	[spmem:s2] =	stream.indirect.scatter.add.f32 [tilespmem:s28], [sflag:$0x3], $0x80, s21, s18, $0xb8;
	[tilespmem:$0x1CB00] =	vst v63  }
0x116: {  	_ =	swait.ge [sflag:s16], $0x4000  }
0x117: {  	[sflag:s16] =	ssyncset.done $0x0  }
0x118: {  	[sflag:s16] =	ssyncadd.s32 $0xFFFFC000  }
0x119: {  	[tilespmem:s28], [sflag:$0x1] =	stream.indirect.gather [hbm4b:s5+s18], $0x80, s6, s18, $0xb8;
	[tilespmem:$0x1CB00] =	vst v63  }
0x11a: {  	_ =	swait.ge [sflag:s0], $0x4000  }
0x11b: {  	[sflag:s0] =	ssyncset.done $0x0  }
0x11c: {  	[sflag:s0] =	ssyncadd.s32 $0xFFFFC000  }
0x11d: {  	[spmem:s2] =	stream.indirect.scatter.add.f32 [tilespmem:s29], [sflag:$0x3], $0x80, s22, s18, $0xb8;
	[tilespmem:$0x1CB00] =	vst v63  }
0x11e: {  	_ =	swait.ge [sflag:s16], $0x4000  }
0x11f: {  	[sflag:s16] =	ssyncset.done $0x0  }
0x120: {  	[sflag:s16] =	ssyncadd.s32 $0xFFFFC000  }
0x121: {  	[tilespmem:s29], [sflag:$0x2] =	stream.indirect.gather [hbm4b:s5+s18], $0x80, s7, s18, $0xb8;
	[tilespmem:$0x1CB00] =	vst v63  }
0x122: {  	_ =	swait.ge [sflag:s30], $0x4000  }
0x123: {  	[sflag:s30] =	ssyncset.done $0x0  }
0x124: {  	[sflag:s30] =	ssyncadd.s32 $0xFFFFC000  }
0x125: {  	[spmem:s2] =	stream.indirect.scatter.add.f32 [tilespmem:s28], [sflag:$0x3], $0x80, s23, s18, $0xb8;
	[tilespmem:$0x1CB00] =	vst v63  }
0x126: {  	_ =	swait.ge [sflag:s16], $0x4000  }
0x127: {  	[sflag:s16] =	ssyncset.done $0x0  }
0x128: {  	[sflag:s16] =	ssyncadd.s32 $0xFFFFC000  }
0x129: {  	[tilespmem:s28], [sflag:$0x1] =	stream.indirect.gather [hbm4b:s5+s18], $0x80, s8, s18, $0xb8;
	[tilespmem:$0x1CB00] =	vst v63  }
0x12a: {  	_ =	swait.ge [sflag:s0], $0x4000  }
0x12b: {  	[sflag:s0] =	ssyncset.done $0x0  }
0x12c: {  	[sflag:s0] =	ssyncadd.s32 $0xFFFFC000  }
0x12d: {  	[spmem:s2] =	stream.indirect.scatter.add.f32 [tilespmem:s29], [sflag:$0x3], $0x80, s24, s18, $0xb8;
	[tilespmem:$0x1CB00] =	vst v63  }
0x12e: {  	_ =	swait.ge [sflag:s16], $0x4000  }
0x12f: {  	[sflag:s16] =	ssyncset.done $0x0  }
0x130: {  	[sflag:s16] =	ssyncadd.s32 $0xFFFFC000  }
0x131: {  	[tilespmem:s29], [sflag:$0x2] =	stream.indirect.gather [hbm4b:s5+s18], $0x80, s9, s18, $0xb8;
	[tilespmem:$0x1CB00] =	vst v63  }
0x132: {  	_ =	swait.ge [sflag:s30], $0x4000  }
0x133: {  	[sflag:s30] =	ssyncset.done $0x0  }
0x134: {  	[sflag:s30] =	ssyncadd.s32 $0xFFFFC000  }
0x135: {  	[spmem:s2] =	stream.indirect.scatter.add.f32 [tilespmem:s28], [sflag:$0x3], $0x80, s25, s18, $0xb8;
	[tilespmem:$0x1CB00] =	vst v63  }
0x136: {  	_ =	swait.ge [sflag:s16], $0x4000  }
0x137: {  	[sflag:s16] =	ssyncset.done $0x0  }
0x138: {  	[sflag:s16] =	ssyncadd.s32 $0xFFFFC000  }
0x139: {  	_ =	swait.ge [sflag:s0], $0x4000  }
.Ltmp5:
0x13a: {  	[sflag:s0] =	ssyncset.done $0x0;
	(pc) =	sbr.rel @p1 .LBB2_3-.Ltmp5, $4  }
0x13b: {  	[sflag:s0] =	ssyncadd.s32 $0xFFFFC000  }
0x13c: {  	[spmem:s2] =	stream.indirect.scatter.add.f32 [tilespmem:s29], [sflag:$0x3], $0x80, s26, s18, $0xb8;
	[tilespmem:$0x1CB00] =	vst v63  }
0x13d: {  	_ =	swait.ge [sflag:s16], $0x4000  }
0x13e: {  	s14 =	smov.u32 s11;
	[sflag:s16] =	ssyncset.done $0x0  }
0x13f: {  	s10 =	sadd.s32 s15, s12;
	[sflag:s16] =	ssyncadd.s32 $0xFFFFC000  }
0x140: {  	[tilespmem:s4], [sflag:$0x3] =	stream.linear.gather [hbm4b:s10+s4], $0x400, $0x38;
	[tilespmem:$0x1CB00] =	vst v63  }
0x141: {  	_ =	swait.ge [sflag:s16], $0x400  }
0x142: {  	[sflag:s16] =	ssyncset.done $0x0  }
0x143: {  	s10 =	sadd.s32 $0xA000, s10;
	[sflag:s16] =	ssyncadd.s32 $0xFFFFFC00  }
0x144: {  	[tilespmem:s17], [sflag:$0x3] =	stream.linear.gather [hbm4b:s10+s4], $0x400, $0x38;
	[tilespmem:$0x1CB00] =	vst v63  }
0x145: {  	_ =	swait.ge [sflag:s16], $0x400  }
0x146: {  	[sflag:s16] =	ssyncset.done $0x0  }
0x147: {  	[sflag:s16] =	ssyncadd.s32 $0xFFFFFC00  }
0x148: {  	[tilespmem:s28], [sflag:$0x1] =	stream.indirect.gather [hbm4b:s5+s18], $0x80, s4, s18, $0xb8;
	[tilespmem:$0x1CB00] =	vst v63  }
0x149: {  	_ = 	snop  }
0x14a: {  	[tilespmem:s29], [sflag:$0x2] =	stream.indirect.gather [hbm4b:s5+s18], $0x80, s18, s18, $0xb8;
	[tilespmem:$0x1CB00] =	vst v63  }
0x14b: {  	_ =	swait.ge [sflag:s30], $0x4000  }
0x14c: {  	[sflag:s30] =	ssyncset.done $0x0  }
0x14d: {  	[sflag:s30] =	ssyncadd.s32 $0xFFFFC000  }
0x14e: {  	[spmem:s2] =	stream.indirect.scatter.add.f32 [tilespmem:s28], [sflag:$0x3], $0x80, s17, s18, $0xb8;
	[tilespmem:$0x1CB00] =	vst v63  }
0x14f: {  	_ =	swait.ge [sflag:s16], $0x4000  }
0x150: {  	[sflag:s16] =	ssyncset.done $0x0  }
0x151: {  	[sflag:s16] =	ssyncadd.s32 $0xFFFFC000  }
0x152: {  	[tilespmem:s28], [sflag:$0x1] =	stream.indirect.gather [hbm4b:s5+s18], $0x80, s31, s18, $0xb8;
	[tilespmem:$0x1CB00] =	vst v63  }
0x153: {  	_ =	swait.ge [sflag:s0], $0x4000  }
0x154: {  	[sflag:s0] =	ssyncset.done $0x0  }
0x155: {  	[sflag:s0] =	ssyncadd.s32 $0xFFFFC000  }
0x156: {  	[spmem:s2] =	stream.indirect.scatter.add.f32 [tilespmem:s29], [sflag:$0x3], $0x80, s20, s18, $0xb8;
	[tilespmem:$0x1CB00] =	vst v63  }
0x157: {  	_ =	swait.ge [sflag:s16], $0x4000  }
0x158: {  	[sflag:s16] =	ssyncset.done $0x0  }
0x159: {  	[sflag:s16] =	ssyncadd.s32 $0xFFFFC000  }
0x15a: {  	[tilespmem:s29], [sflag:$0x2] =	stream.indirect.gather [hbm4b:s5+s18], $0x80, s1, s18, $0xb8;
	[tilespmem:$0x1CB00] =	vst v63  }
0x15b: {  	_ =	swait.ge [sflag:s30], $0x4000  }
0x15c: {  	[sflag:s30] =	ssyncset.done $0x0  }
0x15d: {  	[sflag:s30] =	ssyncadd.s32 $0xFFFFC000  }
0x15e: {  	[spmem:s2] =	stream.indirect.scatter.add.f32 [tilespmem:s28], [sflag:$0x3], $0x80, s21, s18, $0xb8;
	[tilespmem:$0x1CB00] =	vst v63  }
0x15f: {  	_ =	swait.ge [sflag:s16], $0x4000  }
0x160: {  	[sflag:s16] =	ssyncset.done $0x0  }
0x161: {  	[sflag:s16] =	ssyncadd.s32 $0xFFFFC000  }
0x162: {  	[tilespmem:s28], [sflag:$0x1] =	stream.indirect.gather [hbm4b:s5+s18], $0x80, s6, s18, $0xb8;
	[tilespmem:$0x1CB00] =	vst v63  }
0x163: {  	_ =	swait.ge [sflag:s0], $0x4000  }
0x164: {  	[sflag:s0] =	ssyncset.done $0x0  }
0x165: {  	[sflag:s0] =	ssyncadd.s32 $0xFFFFC000  }
0x166: {  	[spmem:s2] =	stream.indirect.scatter.add.f32 [tilespmem:s29], [sflag:$0x3], $0x80, s22, s18, $0xb8;
	[tilespmem:$0x1CB00] =	vst v63  }
0x167: {  	_ =	swait.ge [sflag:s16], $0x4000  }
0x168: {  	[sflag:s16] =	ssyncset.done $0x0  }
0x169: {  	[sflag:s16] =	ssyncadd.s32 $0xFFFFC000  }
0x16a: {  	[tilespmem:s29], [sflag:$0x2] =	stream.indirect.gather [hbm4b:s5+s18], $0x80, s7, s18, $0xb8;
	[tilespmem:$0x1CB00] =	vst v63  }
0x16b: {  	_ =	swait.ge [sflag:s30], $0x4000  }
0x16c: {  	[sflag:s30] =	ssyncset.done $0x0  }
0x16d: {  	[sflag:s30] =	ssyncadd.s32 $0xFFFFC000  }
0x16e: {  	[spmem:s2] =	stream.indirect.scatter.add.f32 [tilespmem:s28], [sflag:$0x3], $0x80, s23, s18, $0xb8;
	[tilespmem:$0x1CB00] =	vst v63  }
0x16f: {  	_ =	swait.ge [sflag:s16], $0x4000  }
0x170: {  	[sflag:s16] =	ssyncset.done $0x0  }
0x171: {  	[sflag:s16] =	ssyncadd.s32 $0xFFFFC000  }
0x172: {  	[tilespmem:s28], [sflag:$0x1] =	stream.indirect.gather [hbm4b:s5+s18], $0x80, s8, s18, $0xb8;
	[tilespmem:$0x1CB00] =	vst v63  }
0x173: {  	_ =	swait.ge [sflag:s0], $0x4000  }
0x174: {  	[sflag:s0] =	ssyncset.done $0x0  }
0x175: {  	[sflag:s0] =	ssyncadd.s32 $0xFFFFC000  }
0x176: {  	[spmem:s2] =	stream.indirect.scatter.add.f32 [tilespmem:s29], [sflag:$0x3], $0x80, s24, s18, $0xb8;
	[tilespmem:$0x1CB00] =	vst v63  }
0x177: {  	_ =	swait.ge [sflag:s16], $0x4000  }
0x178: {  	[sflag:s16] =	ssyncset.done $0x0  }
0x179: {  	[sflag:s16] =	ssyncadd.s32 $0xFFFFC000  }
0x17a: {  	[tilespmem:s29], [sflag:$0x2] =	stream.indirect.gather [hbm4b:s5+s18], $0x80, s9, s18, $0xb8;
	[tilespmem:$0x1CB00] =	vst v63  }
0x17b: {  	_ =	swait.ge [sflag:s30], $0x4000  }
0x17c: {  	[sflag:s30] =	ssyncset.done $0x0  }
0x17d: {  	[sflag:s30] =	ssyncadd.s32 $0xFFFFC000  }
0x17e: {  	[spmem:s2] =	stream.indirect.scatter.add.f32 [tilespmem:s28], [sflag:$0x3], $0x80, s25, s18, $0xb8;
	[tilespmem:$0x1CB00] =	vst v63  }
0x17f: {  	_ =	swait.ge [sflag:s16], $0x4000  }
0x180: {  	[sflag:s16] =	ssyncset.done $0x0  }
0x181: {  	[sflag:s16] =	ssyncadd.s32 $0xFFFFC000  }
0x182: {  	_ =	swait.ge [sflag:s0], $0x4000  }
0x183: {  	[sflag:s0] =	ssyncset.done $0x0  }
0x184: {  	[sflag:s0] =	ssyncadd.s32 $0xFFFFC000  }
0x185: {  	[spmem:s2] =	stream.indirect.scatter.add.f32 [tilespmem:s29], [sflag:$0x3], $0x80, s26, s18, $0xb8;
	[tilespmem:$0x1CB00] =	vst v63  }
0x186: {  	_ =	swait.ge [sflag:s16], $0x4000  }
0x187: {  	[sflag:s16] =	ssyncset.done $0x0  }
0x188: {  	[sflag:s16] =	ssyncadd.s32 $0xFFFFC000  }
0x189: {  	[bflag:$0x0] =	sbarrier.arrive $0xFFFF  }
0x18a: {  	s15 =	rddreg [dreg:$0x7]  }
0x18b: {  	s11 =	rddreg [dreg:$0xb]  }
.Ltmp6:
0x18c: {  	s14 =	rddreg [dreg:$0xe];
	(pc) =	sbr.rel .LBB2_8-.Ltmp6, $4  }
0x18d: {  	[hbm:s15], [sflag:s11] =	dma.local [spmem:s14], $0x2800  }
0x18e: {  	_ =	swait.ge [sflag:s16], $0x2800  }
0x18f: {  	[sflag:s16] =	ssyncset.done $0x0  }
0x190: {  	s14 =	rddreg [dreg:$0xd];
	[sflag:s16] =	ssyncadd.s32 $0xFFFFD800  }
.LBB2_9:
0x191: {  	_ =	sfence.sel $0x180000  }
0x192: {  	[bflag:$0x0] =	sbarrier.arrive $0xFFFF  }
0x193: {  	_ =	strace $0x9000004A  }
0x194: {  	s0 =	stileid.u32;
	[bflag:$0x2] =	sbarrier.arrive $0xFFFF  }
0x195: {  	p0 =	sne.s32 s0, $0x0;
	s0 =	rddreg [dreg:$0x4]  }
0x196: {  	s0 =	sadd.s32 @!p0 $0x100000, s0  }
0x197: {  	[sflag:s0] =	ssyncadd.tile.s32 @!p0 $0x1;
	_ =	shalt  }
.Lfunc_end2:
_tile_overlayer_lowered:
.L_overlay_start_2:
0x198: {  	(tag) =	ssettag $0x2  }
0x199: {  	s0 =	rddreg [dreg:$0x0];
	s2 =	stileid.u32  }
0x19a: {  	s1 =	rddreg [dreg:$0x1];
	p0 =	sne.s32 s2, $0x0  }
0x19b: {  	s3 =	rddreg [dreg:$0x2];
	[bflag:$0x3] =	sbarrier.arrive $0xFFFF;
	s2 =	simm.s32 @!p0 $0x1C03  }
0x19c: {  	[timem:s3], [sflag:s2] =	dma.local @!p0 [hbm:s0], s1  }
0x19d: {  	s0 =	simm.s32 @!p0 $0x3  }
0x19e: {  	_ =	swait.ge @!p0 [sflag:s0], s1  }
0x19f: {  	s1 =	ssub.s32 @!p0 $0x0, s1;
	[sflag:s0] =	ssyncset.done @!p0 $0x0  }
0x1a0: {  	[sflag:s0] =	ssyncadd.s32 @!p0 s1  }
0x1a1: {  	[bflag:$0x3] =	sbarrier.arrive $0xFFFF  }
0x1a2: {  	_ =	shalt  }

</sc_bundles>
